<compile_context>
chip_gen: v7x
topology: tpu7x:2x2x1
jax: 0.10.2.dev20260603
libtpu: 0.0.44.dev20260713+nightly
codegen_flags: <defaults>
</compile_context>

<pallas_src>
import functools

import jax
import jax.numpy as jnp
from jax import lax
from jax.experimental import pallas as pl
from jax.experimental.pallas import tpu as pltpu
from jax.experimental.pallas import tpu_sc as plsc

D = 64
NC, NS = 2, 16
NW = NC * NS
CH = 128
K = 8


@functools.lru_cache(maxsize=4)
def _make_gather(B, V):
    b_per_w = B // NW
    n_win = b_per_w // (CH * K)
    mesh = plsc.VectorSubcoreMesh(core_axis_name="c", subcore_axis_name="s")

    scratch = [pltpu.VMEM((b_per_w,), jnp.int32)]
    scratch += [pltpu.VMEM((CH, D), jnp.float32) for _ in range(K)]
    scratch += [pltpu.SemaphoreType.DMA for _ in range(2 * K)]

    @functools.partial(
        pl.kernel,
        out_type=jax.ShapeDtypeStruct((B, D), jnp.float32),
        mesh=mesh,
        compiler_params=pltpu.CompilerParams(use_tc_tiling_on_sc=False),
        scratch_types=scratch,
    )
    def gather_kernel(idx_hbm, table_hbm, out_hbm, idx_v, *bufs_and_sems):
        rows = bufs_and_sems[:K]
        gsem = bufs_and_sems[K:2 * K]
        osem = bufs_and_sems[2 * K:]
        wid = lax.axis_index("s") * NC + lax.axis_index("c")
        base = wid * b_per_w
        pltpu.sync_copy(idx_hbm.at[pl.ds(base, b_per_w)], idx_v)

        @pl.loop(0, n_win)
        def _window(w):
            w0 = w * (CH * K)
            gathers = []
            for t in range(K):
                @pl.when(w > 0)
                def _drain():
                    pltpu.make_async_copy(
                        rows[t], out_hbm.at[pl.ds(0, CH)], osem[t]
                    ).wait()

                ids = idx_v.at[pl.ds(w0 + t * CH, CH)]
                gathers.append(
                    pltpu.async_copy(table_hbm.at[ids], rows[t], gsem[t])
                )
            for t in range(K):
                gathers[t].wait()
                pltpu.async_copy(
                    rows[t], out_hbm.at[pl.ds(base + w0 + t * CH, CH)], osem[t]
                )

        for t in range(K):
            pltpu.make_async_copy(
                rows[t], out_hbm.at[pl.ds(0, CH)], osem[t]
            ).wait()

    return gather_kernel


def kernel(x, emb_weight):
    lead_shape = x.shape
    idx = x.reshape(-1).astype(jnp.int32)
    B = idx.shape[0]
    granule = NW * CH * K
    B_pad = ((B + granule - 1) // granule) * granule
    if B_pad != B:
        idx = jnp.pad(idx, (0, B_pad - B))
    out = _make_gather(B_pad, emb_weight.shape[0])(idx, emb_weight)
    if B_pad != B:
        out = out[:B]
    return out.reshape(*lead_shape, D)

# --- scband reference (transcript-rebuilt; emitter-appended) ---
"""Pipeline reference for scband-embedding-53480932770281 (READ-ONLY COPY).

The authoritative reference and input builder live on the scoring server;
editing this copy changes nothing except your own understanding.
"""

import jax, jax.numpy as jnp
import numpy as np

N_TOKENS = 1000000
D_EMBED = 64
D_MODEL = 64
INIT_RANGE = 0.02

def setup_inputs(seed: int = 0) -> dict:
    key = jax.random.key(seed)
    k1, k2 = jax.random.split(key)
    x = jax.random.randint(k1, (16384, 50), 0, N_TOKENS, dtype=jnp.int64 if jax.config.jax_enable_x64 else jnp.int32)
    emb_weight = jax.random.normal(k2, (N_TOKENS, D_EMBED), dtype=jnp.float32) * INIT_RANGE
    return {"x": x, "emb_weight": emb_weight}

def reference(x, emb_weight):
    # nn.Embedding lookup: gather rows of the table
    out = jnp.take(emb_weight, x, axis=0)
    # d_model == d_embed, so no projection is applied
    return out

if __name__ == "__main__":
    import jax
    _d = setup_inputs()
    print(jax.jit(kernel)(*tuple(_d.values())))

</pallas_src>

<mosaic_0001>
#map = affine_map<(d0, d1) -> (0)>
#map1 = affine_map<(d0, d1) -> (0, 0)>
module attributes {stable_mosaic.version = 14 : i64} {
  func.func @gather_kernel(%arg0: i32, %arg1: i32, %arg2: memref<819200xi32, #tpu.memory_space<hbm>>, %arg3: memref<1000000x64xf32, #tpu.memory_space<hbm>>, %arg4: memref<819200x64xf32, #tpu.memory_space<hbm>>, %arg5: memref<25600xi32, #tpu.memory_space<vmem>>, %arg6: memref<128x64xf32, #tpu.memory_space<vmem>>, %arg7: memref<128x64xf32, #tpu.memory_space<vmem>>, %arg8: memref<128x64xf32, #tpu.memory_space<vmem>>, %arg9: memref<128x64xf32, #tpu.memory_space<vmem>>, %arg10: memref<128x64xf32, #tpu.memory_space<vmem>>, %arg11: memref<128x64xf32, #tpu.memory_space<vmem>>, %arg12: memref<128x64xf32, #tpu.memory_space<vmem>>, %arg13: memref<128x64xf32, #tpu.memory_space<vmem>>, %arg14: memref<!tpu.dma_semaphore, #tpu.memory_space<semaphore_mem>>, %arg15: memref<!tpu.dma_semaphore, #tpu.memory_space<semaphore_mem>>, %arg16: memref<!tpu.dma_semaphore, #tpu.memory_space<semaphore_mem>>, %arg17: memref<!tpu.dma_semaphore, #tpu.memory_space<semaphore_mem>>, %arg18: memref<!tpu.dma_semaphore, #tpu.memory_space<semaphore_mem>>, %arg19: memref<!tpu.dma_semaphore, #tpu.memory_space<semaphore_mem>>, %arg20: memref<!tpu.dma_semaphore, #tpu.memory_space<semaphore_mem>>, %arg21: memref<!tpu.dma_semaphore, #tpu.memory_space<semaphore_mem>>, %arg22: memref<!tpu.dma_semaphore, #tpu.memory_space<semaphore_mem>>, %arg23: memref<!tpu.dma_semaphore, #tpu.memory_space<semaphore_mem>>, %arg24: memref<!tpu.dma_semaphore, #tpu.memory_space<semaphore_mem>>, %arg25: memref<!tpu.dma_semaphore, #tpu.memory_space<semaphore_mem>>, %arg26: memref<!tpu.dma_semaphore, #tpu.memory_space<semaphore_mem>>, %arg27: memref<!tpu.dma_semaphore, #tpu.memory_space<semaphore_mem>>, %arg28: memref<!tpu.dma_semaphore, #tpu.memory_space<semaphore_mem>>, %arg29: memref<!tpu.dma_semaphore, #tpu.memory_space<semaphore_mem>>) attributes {dimension_semantics = [#tpu.dimension_semantics<core_parallel>, #tpu.dimension_semantics<subcore_parallel>], iteration_bounds = array<i64: 2, 16>, scalar_prefetch = 0 : i64, scratch_operands = 25 : i64, tpu.core_type = #tpu.core_type<sc_vector_subcore>, window_params = [{transform_indices = #map}, {transform_indices = #map1}, {transform_indices = #map1}]} {
    %mul3A = arith.constant 2 : i32
    %mul3A_0 = arith.muli %arg1, %mul3A : i32
    %add3A = arith.addi %mul3A_0, %arg0 : i32
    %mul3A_1 = arith.constant 25600 : i32
    %mul3A_2 = arith.muli %add3A, %mul3A_1 : i32
    "tpu.region"() ({
      %run_scoped3A = tpu.sem_alloc : memref<!tpu.dma_semaphore, #tpu.memory_space<semaphore_mem>>
      %dma_start3A = tpu.memref_slice %arg2[%mul3A_2] : memref<819200xi32, #tpu.memory_space<hbm>> -> memref<25600xi32, #tpu.memory_space<hbm>>
      %dma_start3A_54 = tpu.memref_slice %arg2[%mul3A_2] : memref<819200xi32, #tpu.memory_space<hbm>> -> memref<25600xi32, #tpu.memory_space<hbm>>
      tpu.enqueue_dma source(%dma_start3A_54 : memref<25600xi32, #tpu.memory_space<hbm>>) target(%arg5 : memref<25600xi32, #tpu.memory_space<vmem>>) target_semaphore(%run_scoped3A : memref<!tpu.dma_semaphore, #tpu.memory_space<semaphore_mem>>)
      %dma_wait3A_55 = tpu.memref_slice %arg2[%mul3A_2] : memref<819200xi32, #tpu.memory_space<hbm>> -> memref<25600xi32, #tpu.memory_space<hbm>>
      %dma_wait3A_56 = tpu.memref_slice %arg2[%mul3A_2] : memref<819200xi32, #tpu.memory_space<hbm>> -> memref<25600xi32, #tpu.memory_space<hbm>>
      tpu.wait_dma2 semaphore(%run_scoped3A : memref<!tpu.dma_semaphore, #tpu.memory_space<semaphore_mem>>) src(%dma_wait3A_56 : memref<25600xi32, #tpu.memory_space<hbm>>) dst(%arg5 : memref<25600xi32, #tpu.memory_space<vmem>>)
      tpu.yield
    }) : () -> ()
    %scan3A = arith.constant 0 : i32
    %scan3A_3 = arith.constant 25 : i32
    %scan3A_4 = arith.addi %scan3A, %scan3A_3 : i32
    %scan3A_5 = arith.constant 1 : i32
    scf.for %scan3A_54 = %scan3A to %scan3A_4 step %scan3A_5  : i32 {
      %mul3A_55 = arith.constant 1 : i32
      %mul3A_56 = arith.muli %scan3A_54, %mul3A_55 : i32
      %add3A_57 = arith.constant 0 : i32
      %add3A_58 = arith.addi %add3A_57, %mul3A_56 : i32
      %mul3A_59 = arith.constant 1024 : i32
      %mul3A_60 = arith.muli %add3A_58, %mul3A_59 : i32
      %gt3A = arith.constant 0 : i32
      %gt3A_61 = arith.cmpi sgt, %add3A_58, %gt3A : i32
      %convert_element_type3A = arith.extui %gt3A_61 : i1 to i32
      %cond3A = arith.constant 0 : i32
      %cond3A_62 = arith.cmpi ne, %convert_element_type3A, %cond3A : i32
      scf.if %cond3A_62 {
        %dma_wait3A_233 = arith.constant 0 : i32
        %dma_wait3A_234 = arith.constant 0 : i32
        %dma_wait3A_235 = tpu.memref_slice %arg4[%dma_wait3A_233, %dma_wait3A_234] : memref<819200x64xf32, #tpu.memory_space<hbm>> -> memref<128x64xf32, #tpu.memory_space<hbm>>
        %dma_wait3A_236 = arith.constant 0 : i32
        %dma_wait3A_237 = arith.constant 0 : i32
        %dma_wait3A_238 = tpu.memref_slice %arg4[%dma_wait3A_236, %dma_wait3A_237] : memref<819200x64xf32, #tpu.memory_space<hbm>> -> memref<128x64xf32, #tpu.memory_space<hbm>>
        tpu.wait_dma2 semaphore(%arg22 : memref<!tpu.dma_semaphore, #tpu.memory_space<semaphore_mem>>) src(%arg6 : memref<128x64xf32, #tpu.memory_space<vmem>>) dst(%dma_wait3A_238 : memref<128x64xf32, #tpu.memory_space<hbm>>)
      } else {
      }
      %add3A_63 = arith.constant 0 : i32
      %add3A_64 = arith.addi %mul3A_60, %add3A_63 : i32
      %dma_start3A = tpu.memref_slice %arg5[%add3A_64] : memref<25600xi32, #tpu.memory_space<vmem>> -> memref<128xi32, #tpu.memory_space<vmem>>
      %dma_start3A_65 = arith.constant 0 : i32
      %dma_start3A_66 = arith.constant 0 : i32
      %dma_start3A_67 = tpu.memref_slice %arg3[%dma_start3A_65, %dma_start3A_66] : memref<1000000x64xf32, #tpu.memory_space<hbm>> -> memref<1000000x64xf32, #tpu.memory_space<hbm>>
      tpu.enqueue_indirect_dma source(%dma_start3A_67 : memref<1000000x64xf32, #tpu.memory_space<hbm>>) target(%arg6 : memref<128x64xf32, #tpu.memory_space<vmem>>) offsets(%dma_start3A : memref<128xi32, #tpu.memory_space<vmem>>) semaphore(%arg14 : memref<!tpu.dma_semaphore, #tpu.memory_space<semaphore_mem>>)
      %gt3A_68 = arith.constant 0 : i32
      %gt3A_69 = arith.cmpi sgt, %add3A_58, %gt3A_68 : i32
      %convert_element_type3A_70 = arith.extui %gt3A_69 : i1 to i32
      %cond3A_71 = arith.constant 0 : i32
      %cond3A_72 = arith.cmpi ne, %convert_element_type3A_70, %cond3A_71 : i32
      scf.if %cond3A_72 {
        %dma_wait3A_233 = arith.constant 0 : i32
        %dma_wait3A_234 = arith.constant 0 : i32
        %dma_wait3A_235 = tpu.memref_slice %arg4[%dma_wait3A_233, %dma_wait3A_234] : memref<819200x64xf32, #tpu.memory_space<hbm>> -> memref<128x64xf32, #tpu.memory_space<hbm>>
        %dma_wait3A_236 = arith.constant 0 : i32
        %dma_wait3A_237 = arith.constant 0 : i32
        %dma_wait3A_238 = tpu.memref_slice %arg4[%dma_wait3A_236, %dma_wait3A_237] : memref<819200x64xf32, #tpu.memory_space<hbm>> -> memref<128x64xf32, #tpu.memory_space<hbm>>
        tpu.wait_dma2 semaphore(%arg23 : memref<!tpu.dma_semaphore, #tpu.memory_space<semaphore_mem>>) src(%arg7 : memref<128x64xf32, #tpu.memory_space<vmem>>) dst(%dma_wait3A_238 : memref<128x64xf32, #tpu.memory_space<hbm>>)
      } else {
      }
      %add3A_73 = arith.constant 128 : i32
      %add3A_74 = arith.addi %mul3A_60, %add3A_73 : i32
      %dma_start3A_75 = tpu.memref_slice %arg5[%add3A_74] : memref<25600xi32, #tpu.memory_space<vmem>> -> memref<128xi32, #tpu.memory_space<vmem>>
      %dma_start3A_76 = arith.constant 0 : i32
      %dma_start3A_77 = arith.constant 0 : i32
      %dma_start3A_78 = tpu.memref_slice %arg3[%dma_start3A_76, %dma_start3A_77] : memref<1000000x64xf32, #tpu.memory_space<hbm>> -> memref<1000000x64xf32, #tpu.memory_space<hbm>>
      tpu.enqueue_indirect_dma source(%dma_start3A_78 : memref<1000000x64xf32, #tpu.memory_space<hbm>>) target(%arg7 : memref<128x64xf32, #tpu.memory_space<vmem>>) offsets(%dma_start3A_75 : memref<128xi32, #tpu.memory_space<vmem>>) semaphore(%arg15 : memref<!tpu.dma_semaphore, #tpu.memory_space<semaphore_mem>>)
      %gt3A_79 = arith.constant 0 : i32
      %gt3A_80 = arith.cmpi sgt, %add3A_58, %gt3A_79 : i32
      %convert_element_type3A_81 = arith.extui %gt3A_80 : i1 to i32
      %cond3A_82 = arith.constant 0 : i32
      %cond3A_83 = arith.cmpi ne, %convert_element_type3A_81, %cond3A_82 : i32
      scf.if %cond3A_83 {
        %dma_wait3A_233 = arith.constant 0 : i32
        %dma_wait3A_234 = arith.constant 0 : i32
        %dma_wait3A_235 = tpu.memref_slice %arg4[%dma_wait3A_233, %dma_wait3A_234] : memref<819200x64xf32, #tpu.memory_space<hbm>> -> memref<128x64xf32, #tpu.memory_space<hbm>>
        %dma_wait3A_236 = arith.constant 0 : i32
        %dma_wait3A_237 = arith.constant 0 : i32
        %dma_wait3A_238 = tpu.memref_slice %arg4[%dma_wait3A_236, %dma_wait3A_237] : memref<819200x64xf32, #tpu.memory_space<hbm>> -> memref<128x64xf32, #tpu.memory_space<hbm>>
        tpu.wait_dma2 semaphore(%arg24 : memref<!tpu.dma_semaphore, #tpu.memory_space<semaphore_mem>>) src(%arg8 : memref<128x64xf32, #tpu.memory_space<vmem>>) dst(%dma_wait3A_238 : memref<128x64xf32, #tpu.memory_space<hbm>>)
      } else {
      }
      %add3A_84 = arith.constant 256 : i32
      %add3A_85 = arith.addi %mul3A_60, %add3A_84 : i32
      %dma_start3A_86 = tpu.memref_slice %arg5[%add3A_85] : memref<25600xi32, #tpu.memory_space<vmem>> -> memref<128xi32, #tpu.memory_space<vmem>>
      %dma_start3A_87 = arith.constant 0 : i32
      %dma_start3A_88 = arith.constant 0 : i32
      %dma_start3A_89 = tpu.memref_slice %arg3[%dma_start3A_87, %dma_start3A_88] : memref<1000000x64xf32, #tpu.memory_space<hbm>> -> memref<1000000x64xf32, #tpu.memory_space<hbm>>
      tpu.enqueue_indirect_dma source(%dma_start3A_89 : memref<1000000x64xf32, #tpu.memory_space<hbm>>) target(%arg8 : memref<128x64xf32, #tpu.memory_space<vmem>>) offsets(%dma_start3A_86 : memref<128xi32, #tpu.memory_space<vmem>>) semaphore(%arg16 : memref<!tpu.dma_semaphore, #tpu.memory_space<semaphore_mem>>)
      %gt3A_90 = arith.constant 0 : i32
      %gt3A_91 = arith.cmpi sgt, %add3A_58, %gt3A_90 : i32
      %convert_element_type3A_92 = arith.extui %gt3A_91 : i1 to i32
      %cond3A_93 = arith.constant 0 : i32
      %cond3A_94 = arith.cmpi ne, %convert_element_type3A_92, %cond3A_93 : i32
      scf.if %cond3A_94 {
        %dma_wait3A_233 = arith.constant 0 : i32
        %dma_wait3A_234 = arith.constant 0 : i32
        %dma_wait3A_235 = tpu.memref_slice %arg4[%dma_wait3A_233, %dma_wait3A_234] : memref<819200x64xf32, #tpu.memory_space<hbm>> -> memref<128x64xf32, #tpu.memory_space<hbm>>
        %dma_wait3A_236 = arith.constant 0 : i32
        %dma_wait3A_237 = arith.constant 0 : i32
        %dma_wait3A_238 = tpu.memref_slice %arg4[%dma_wait3A_236, %dma_wait3A_237] : memref<819200x64xf32, #tpu.memory_space<hbm>> -> memref<128x64xf32, #tpu.memory_space<hbm>>
        tpu.wait_dma2 semaphore(%arg25 : memref<!tpu.dma_semaphore, #tpu.memory_space<semaphore_mem>>) src(%arg9 : memref<128x64xf32, #tpu.memory_space<vmem>>) dst(%dma_wait3A_238 : memref<128x64xf32, #tpu.memory_space<hbm>>)
      } else {
      }
      %add3A_95 = arith.constant 384 : i32
      %add3A_96 = arith.addi %mul3A_60, %add3A_95 : i32
      %dma_start3A_97 = tpu.memref_slice %arg5[%add3A_96] : memref<25600xi32, #tpu.memory_space<vmem>> -> memref<128xi32, #tpu.memory_space<vmem>>
      %dma_start3A_98 = arith.constant 0 : i32
      %dma_start3A_99 = arith.constant 0 : i32
      %dma_start3A_100 = tpu.memref_slice %arg3[%dma_start3A_98, %dma_start3A_99] : memref<1000000x64xf32, #tpu.memory_space<hbm>> -> memref<1000000x64xf32, #tpu.memory_space<hbm>>
      tpu.enqueue_indirect_dma source(%dma_start3A_100 : memref<1000000x64xf32, #tpu.memory_space<hbm>>) target(%arg9 : memref<128x64xf32, #tpu.memory_space<vmem>>) offsets(%dma_start3A_97 : memref<128xi32, #tpu.memory_space<vmem>>) semaphore(%arg17 : memref<!tpu.dma_semaphore, #tpu.memory_space<semaphore_mem>>)
      %gt3A_101 = arith.constant 0 : i32
      %gt3A_102 = arith.cmpi sgt, %add3A_58, %gt3A_101 : i32
      %convert_element_type3A_103 = arith.extui %gt3A_102 : i1 to i32
      %cond3A_104 = arith.constant 0 : i32
      %cond3A_105 = arith.cmpi ne, %convert_element_type3A_103, %cond3A_104 : i32
      scf.if %cond3A_105 {
        %dma_wait3A_233 = arith.constant 0 : i32
        %dma_wait3A_234 = arith.constant 0 : i32
        %dma_wait3A_235 = tpu.memref_slice %arg4[%dma_wait3A_233, %dma_wait3A_234] : memref<819200x64xf32, #tpu.memory_space<hbm>> -> memref<128x64xf32, #tpu.memory_space<hbm>>
        %dma_wait3A_236 = arith.constant 0 : i32
        %dma_wait3A_237 = arith.constant 0 : i32
        %dma_wait3A_238 = tpu.memref_slice %arg4[%dma_wait3A_236, %dma_wait3A_237] : memref<819200x64xf32, #tpu.memory_space<hbm>> -> memref<128x64xf32, #tpu.memory_space<hbm>>
        tpu.wait_dma2 semaphore(%arg26 : memref<!tpu.dma_semaphore, #tpu.memory_space<semaphore_mem>>) src(%arg10 : memref<128x64xf32, #tpu.memory_space<vmem>>) dst(%dma_wait3A_238 : memref<128x64xf32, #tpu.memory_space<hbm>>)
      } else {
      }
      %add3A_106 = arith.constant 512 : i32
      %add3A_107 = arith.addi %mul3A_60, %add3A_106 : i32
      %dma_start3A_108 = tpu.memref_slice %arg5[%add3A_107] : memref<25600xi32, #tpu.memory_space<vmem>> -> memref<128xi32, #tpu.memory_space<vmem>>
      %dma_start3A_109 = arith.constant 0 : i32
      %dma_start3A_110 = arith.constant 0 : i32
      %dma_start3A_111 = tpu.memref_slice %arg3[%dma_start3A_109, %dma_start3A_110] : memref<1000000x64xf32, #tpu.memory_space<hbm>> -> memref<1000000x64xf32, #tpu.memory_space<hbm>>
      tpu.enqueue_indirect_dma source(%dma_start3A_111 : memref<1000000x64xf32, #tpu.memory_space<hbm>>) target(%arg10 : memref<128x64xf32, #tpu.memory_space<vmem>>) offsets(%dma_start3A_108 : memref<128xi32, #tpu.memory_space<vmem>>) semaphore(%arg18 : memref<!tpu.dma_semaphore, #tpu.memory_space<semaphore_mem>>)
      %gt3A_112 = arith.constant 0 : i32
      %gt3A_113 = arith.cmpi sgt, %add3A_58, %gt3A_112 : i32
      %convert_element_type3A_114 = arith.extui %gt3A_113 : i1 to i32
      %cond3A_115 = arith.constant 0 : i32
      %cond3A_116 = arith.cmpi ne, %convert_element_type3A_114, %cond3A_115 : i32
      scf.if %cond3A_116 {
        %dma_wait3A_233 = arith.constant 0 : i32
        %dma_wait3A_234 = arith.constant 0 : i32
        %dma_wait3A_235 = tpu.memref_slice %arg4[%dma_wait3A_233, %dma_wait3A_234] : memref<819200x64xf32, #tpu.memory_space<hbm>> -> memref<128x64xf32, #tpu.memory_space<hbm>>
        %dma_wait3A_236 = arith.constant 0 : i32
        %dma_wait3A_237 = arith.constant 0 : i32
        %dma_wait3A_238 = tpu.memref_slice %arg4[%dma_wait3A_236, %dma_wait3A_237] : memref<819200x64xf32, #tpu.memory_space<hbm>> -> memref<128x64xf32, #tpu.memory_space<hbm>>
        tpu.wait_dma2 semaphore(%arg27 : memref<!tpu.dma_semaphore, #tpu.memory_space<semaphore_mem>>) src(%arg11 : memref<128x64xf32, #tpu.memory_space<vmem>>) dst(%dma_wait3A_238 : memref<128x64xf32, #tpu.memory_space<hbm>>)
      } else {
      }
      %add3A_117 = arith.constant 640 : i32
      %add3A_118 = arith.addi %mul3A_60, %add3A_117 : i32
      %dma_start3A_119 = tpu.memref_slice %arg5[%add3A_118] : memref<25600xi32, #tpu.memory_space<vmem>> -> memref<128xi32, #tpu.memory_space<vmem>>
      %dma_start3A_120 = arith.constant 0 : i32
      %dma_start3A_121 = arith.constant 0 : i32
      %dma_start3A_122 = tpu.memref_slice %arg3[%dma_start3A_120, %dma_start3A_121] : memref<1000000x64xf32, #tpu.memory_space<hbm>> -> memref<1000000x64xf32, #tpu.memory_space<hbm>>
      tpu.enqueue_indirect_dma source(%dma_start3A_122 : memref<1000000x64xf32, #tpu.memory_space<hbm>>) target(%arg11 : memref<128x64xf32, #tpu.memory_space<vmem>>) offsets(%dma_start3A_119 : memref<128xi32, #tpu.memory_space<vmem>>) semaphore(%arg19 : memref<!tpu.dma_semaphore, #tpu.memory_space<semaphore_mem>>)
      %gt3A_123 = arith.constant 0 : i32
      %gt3A_124 = arith.cmpi sgt, %add3A_58, %gt3A_123 : i32
      %convert_element_type3A_125 = arith.extui %gt3A_124 : i1 to i32
      %cond3A_126 = arith.constant 0 : i32
      %cond3A_127 = arith.cmpi ne, %convert_element_type3A_125, %cond3A_126 : i32
      scf.if %cond3A_127 {
        %dma_wait3A_233 = arith.constant 0 : i32
        %dma_wait3A_234 = arith.constant 0 : i32
        %dma_wait3A_235 = tpu.memref_slice %arg4[%dma_wait3A_233, %dma_wait3A_234] : memref<819200x64xf32, #tpu.memory_space<hbm>> -> memref<128x64xf32, #tpu.memory_space<hbm>>
        %dma_wait3A_236 = arith.constant 0 : i32
        %dma_wait3A_237 = arith.constant 0 : i32
        %dma_wait3A_238 = tpu.memref_slice %arg4[%dma_wait3A_236, %dma_wait3A_237] : memref<819200x64xf32, #tpu.memory_space<hbm>> -> memref<128x64xf32, #tpu.memory_space<hbm>>
        tpu.wait_dma2 semaphore(%arg28 : memref<!tpu.dma_semaphore, #tpu.memory_space<semaphore_mem>>) src(%arg12 : memref<128x64xf32, #tpu.memory_space<vmem>>) dst(%dma_wait3A_238 : memref<128x64xf32, #tpu.memory_space<hbm>>)
      } else {
      }
      %add3A_128 = arith.constant 768 : i32
      %add3A_129 = arith.addi %mul3A_60, %add3A_128 : i32
      %dma_start3A_130 = tpu.memref_slice %arg5[%add3A_129] : memref<25600xi32, #tpu.memory_space<vmem>> -> memref<128xi32, #tpu.memory_space<vmem>>
      %dma_start3A_131 = arith.constant 0 : i32
      %dma_start3A_132 = arith.constant 0 : i32
      %dma_start3A_133 = tpu.memref_slice %arg3[%dma_start3A_131, %dma_start3A_132] : memref<1000000x64xf32, #tpu.memory_space<hbm>> -> memref<1000000x64xf32, #tpu.memory_space<hbm>>
      tpu.enqueue_indirect_dma source(%dma_start3A_133 : memref<1000000x64xf32, #tpu.memory_space<hbm>>) target(%arg12 : memref<128x64xf32, #tpu.memory_space<vmem>>) offsets(%dma_start3A_130 : memref<128xi32, #tpu.memory_space<vmem>>) semaphore(%arg20 : memref<!tpu.dma_semaphore, #tpu.memory_space<semaphore_mem>>)
      %gt3A_134 = arith.constant 0 : i32
      %gt3A_135 = arith.cmpi sgt, %add3A_58, %gt3A_134 : i32
      %convert_element_type3A_136 = arith.extui %gt3A_135 : i1 to i32
      %cond3A_137 = arith.constant 0 : i32
      %cond3A_138 = arith.cmpi ne, %convert_element_type3A_136, %cond3A_137 : i32
      scf.if %cond3A_138 {
        %dma_wait3A_233 = arith.constant 0 : i32
        %dma_wait3A_234 = arith.constant 0 : i32
        %dma_wait3A_235 = tpu.memref_slice %arg4[%dma_wait3A_233, %dma_wait3A_234] : memref<819200x64xf32, #tpu.memory_space<hbm>> -> memref<128x64xf32, #tpu.memory_space<hbm>>
        %dma_wait3A_236 = arith.constant 0 : i32
        %dma_wait3A_237 = arith.constant 0 : i32
        %dma_wait3A_238 = tpu.memref_slice %arg4[%dma_wait3A_236, %dma_wait3A_237] : memref<819200x64xf32, #tpu.memory_space<hbm>> -> memref<128x64xf32, #tpu.memory_space<hbm>>
        tpu.wait_dma2 semaphore(%arg29 : memref<!tpu.dma_semaphore, #tpu.memory_space<semaphore_mem>>) src(%arg13 : memref<128x64xf32, #tpu.memory_space<vmem>>) dst(%dma_wait3A_238 : memref<128x64xf32, #tpu.memory_space<hbm>>)
      } else {
      }
      %add3A_139 = arith.constant 896 : i32
      %add3A_140 = arith.addi %mul3A_60, %add3A_139 : i32
      %dma_start3A_141 = tpu.memref_slice %arg5[%add3A_140] : memref<25600xi32, #tpu.memory_space<vmem>> -> memref<128xi32, #tpu.memory_space<vmem>>
      %dma_start3A_142 = arith.constant 0 : i32
      %dma_start3A_143 = arith.constant 0 : i32
      %dma_start3A_144 = tpu.memref_slice %arg3[%dma_start3A_142, %dma_start3A_143] : memref<1000000x64xf32, #tpu.memory_space<hbm>> -> memref<1000000x64xf32, #tpu.memory_space<hbm>>
      tpu.enqueue_indirect_dma source(%dma_start3A_144 : memref<1000000x64xf32, #tpu.memory_space<hbm>>) target(%arg13 : memref<128x64xf32, #tpu.memory_space<vmem>>) offsets(%dma_start3A_141 : memref<128xi32, #tpu.memory_space<vmem>>) semaphore(%arg21 : memref<!tpu.dma_semaphore, #tpu.memory_space<semaphore_mem>>)
      %dma_wait3A_145 = tpu.memref_slice %arg5[%add3A_64] : memref<25600xi32, #tpu.memory_space<vmem>> -> memref<128xi32, #tpu.memory_space<vmem>>
      %dma_wait3A_146 = arith.constant 0 : i32
      %dma_wait3A_147 = arith.constant 0 : i32
      %dma_wait3A_148 = tpu.memref_slice %arg3[%dma_wait3A_146, %dma_wait3A_147] : memref<1000000x64xf32, #tpu.memory_space<hbm>> -> memref<1000000x64xf32, #tpu.memory_space<hbm>>
      tpu.wait_indirect_dma semaphore(%arg14 : memref<!tpu.dma_semaphore, #tpu.memory_space<semaphore_mem>>) src(%dma_wait3A_148 : memref<1000000x64xf32, #tpu.memory_space<hbm>>) dst(%arg6 : memref<128x64xf32, #tpu.memory_space<vmem>>)
      %add3A_149 = arith.addi %mul3A_2, %mul3A_60 : i32
      %add3A_150 = arith.constant 0 : i32
      %add3A_151 = arith.addi %add3A_149, %add3A_150 : i32
      %dma_start3A_152 = arith.constant 0 : i32
      %dma_start3A_153 = tpu.memref_slice %arg4[%add3A_151, %dma_start3A_152] : memref<819200x64xf32, #tpu.memory_space<hbm>> -> memref<128x64xf32, #tpu.memory_space<hbm>>
      %dma_start3A_154 = arith.constant 0 : i32
      %dma_start3A_155 = tpu.memref_slice %arg4[%add3A_151, %dma_start3A_154] : memref<819200x64xf32, #tpu.memory_space<hbm>> -> memref<128x64xf32, #tpu.memory_space<hbm>>
      tpu.enqueue_dma source(%arg6 : memref<128x64xf32, #tpu.memory_space<vmem>>) target(%dma_start3A_155 : memref<128x64xf32, #tpu.memory_space<hbm>>) target_semaphore(%arg22 : memref<!tpu.dma_semaphore, #tpu.memory_space<semaphore_mem>>)
      %dma_wait3A_156 = tpu.memref_slice %arg5[%add3A_74] : memref<25600xi32, #tpu.memory_space<vmem>> -> memref<128xi32, #tpu.memory_space<vmem>>
      %dma_wait3A_157 = arith.constant 0 : i32
      %dma_wait3A_158 = arith.constant 0 : i32
      %dma_wait3A_159 = tpu.memref_slice %arg3[%dma_wait3A_157, %dma_wait3A_158] : memref<1000000x64xf32, #tpu.memory_space<hbm>> -> memref<1000000x64xf32, #tpu.memory_space<hbm>>
      tpu.wait_indirect_dma semaphore(%arg15 : memref<!tpu.dma_semaphore, #tpu.memory_space<semaphore_mem>>) src(%dma_wait3A_159 : memref<1000000x64xf32, #tpu.memory_space<hbm>>) dst(%arg7 : memref<128x64xf32, #tpu.memory_space<vmem>>)
      %add3A_160 = arith.addi %mul3A_2, %mul3A_60 : i32
      %add3A_161 = arith.constant 128 : i32
      %add3A_162 = arith.addi %add3A_160, %add3A_161 : i32
      %dma_start3A_163 = arith.constant 0 : i32
      %dma_start3A_164 = tpu.memref_slice %arg4[%add3A_162, %dma_start3A_163] : memref<819200x64xf32, #tpu.memory_space<hbm>> -> memref<128x64xf32, #tpu.memory_space<hbm>>
      %dma_start3A_165 = arith.constant 0 : i32
      %dma_start3A_166 = tpu.memref_slice %arg4[%add3A_162, %dma_start3A_165] : memref<819200x64xf32, #tpu.memory_space<hbm>> -> memref<128x64xf32, #tpu.memory_space<hbm>>
      tpu.enqueue_dma source(%arg7 : memref<128x64xf32, #tpu.memory_space<vmem>>) target(%dma_start3A_166 : memref<128x64xf32, #tpu.memory_space<hbm>>) target_semaphore(%arg23 : memref<!tpu.dma_semaphore, #tpu.memory_space<semaphore_mem>>)
      %dma_wait3A_167 = tpu.memref_slice %arg5[%add3A_85] : memref<25600xi32, #tpu.memory_space<vmem>> -> memref<128xi32, #tpu.memory_space<vmem>>
      %dma_wait3A_168 = arith.constant 0 : i32
      %dma_wait3A_169 = arith.constant 0 : i32
      %dma_wait3A_170 = tpu.memref_slice %arg3[%dma_wait3A_168, %dma_wait3A_169] : memref<1000000x64xf32, #tpu.memory_space<hbm>> -> memref<1000000x64xf32, #tpu.memory_space<hbm>>
      tpu.wait_indirect_dma semaphore(%arg16 : memref<!tpu.dma_semaphore, #tpu.memory_space<semaphore_mem>>) src(%dma_wait3A_170 : memref<1000000x64xf32, #tpu.memory_space<hbm>>) dst(%arg8 : memref<128x64xf32, #tpu.memory_space<vmem>>)
      %add3A_171 = arith.addi %mul3A_2, %mul3A_60 : i32
      %add3A_172 = arith.constant 256 : i32
      %add3A_173 = arith.addi %add3A_171, %add3A_172 : i32
      %dma_start3A_174 = arith.constant 0 : i32
      %dma_start3A_175 = tpu.memref_slice %arg4[%add3A_173, %dma_start3A_174] : memref<819200x64xf32, #tpu.memory_space<hbm>> -> memref<128x64xf32, #tpu.memory_space<hbm>>
      %dma_start3A_176 = arith.constant 0 : i32
      %dma_start3A_177 = tpu.memref_slice %arg4[%add3A_173, %dma_start3A_176] : memref<819200x64xf32, #tpu.memory_space<hbm>> -> memref<128x64xf32, #tpu.memory_space<hbm>>
      tpu.enqueue_dma source(%arg8 : memref<128x64xf32, #tpu.memory_space<vmem>>) target(%dma_start3A_177 : memref<128x64xf32, #tpu.memory_space<hbm>>) target_semaphore(%arg24 : memref<!tpu.dma_semaphore, #tpu.memory_space<semaphore_mem>>)
      %dma_wait3A_178 = tpu.memref_slice %arg5[%add3A_96] : memref<25600xi32, #tpu.memory_space<vmem>> -> memref<128xi32, #tpu.memory_space<vmem>>
      %dma_wait3A_179 = arith.constant 0 : i32
      %dma_wait3A_180 = arith.constant 0 : i32
      %dma_wait3A_181 = tpu.memref_slice %arg3[%dma_wait3A_179, %dma_wait3A_180] : memref<1000000x64xf32, #tpu.memory_space<hbm>> -> memref<1000000x64xf32, #tpu.memory_space<hbm>>
      tpu.wait_indirect_dma semaphore(%arg17 : memref<!tpu.dma_semaphore, #tpu.memory_space<semaphore_mem>>) src(%dma_wait3A_181 : memref<1000000x64xf32, #tpu.memory_space<hbm>>) dst(%arg9 : memref<128x64xf32, #tpu.memory_space<vmem>>)
      %add3A_182 = arith.addi %mul3A_2, %mul3A_60 : i32
      %add3A_183 = arith.constant 384 : i32
      %add3A_184 = arith.addi %add3A_182, %add3A_183 : i32
      %dma_start3A_185 = arith.constant 0 : i32
      %dma_start3A_186 = tpu.memref_slice %arg4[%add3A_184, %dma_start3A_185] : memref<819200x64xf32, #tpu.memory_space<hbm>> -> memref<128x64xf32, #tpu.memory_space<hbm>>
      %dma_start3A_187 = arith.constant 0 : i32
      %dma_start3A_188 = tpu.memref_slice %arg4[%add3A_184, %dma_start3A_187] : memref<819200x64xf32, #tpu.memory_space<hbm>> -> memref<128x64xf32, #tpu.memory_space<hbm>>
      tpu.enqueue_dma source(%arg9 : memref<128x64xf32, #tpu.memory_space<vmem>>) target(%dma_start3A_188 : memref<128x64xf32, #tpu.memory_space<hbm>>) target_semaphore(%arg25 : memref<!tpu.dma_semaphore, #tpu.memory_space<semaphore_mem>>)
      %dma_wait3A_189 = tpu.memref_slice %arg5[%add3A_107] : memref<25600xi32, #tpu.memory_space<vmem>> -> memref<128xi32, #tpu.memory_space<vmem>>
      %dma_wait3A_190 = arith.constant 0 : i32
      %dma_wait3A_191 = arith.constant 0 : i32
      %dma_wait3A_192 = tpu.memref_slice %arg3[%dma_wait3A_190, %dma_wait3A_191] : memref<1000000x64xf32, #tpu.memory_space<hbm>> -> memref<1000000x64xf32, #tpu.memory_space<hbm>>
      tpu.wait_indirect_dma semaphore(%arg18 : memref<!tpu.dma_semaphore, #tpu.memory_space<semaphore_mem>>) src(%dma_wait3A_192 : memref<1000000x64xf32, #tpu.memory_space<hbm>>) dst(%arg10 : memref<128x64xf32, #tpu.memory_space<vmem>>)
      %add3A_193 = arith.addi %mul3A_2, %mul3A_60 : i32
      %add3A_194 = arith.constant 512 : i32
      %add3A_195 = arith.addi %add3A_193, %add3A_194 : i32
      %dma_start3A_196 = arith.constant 0 : i32
      %dma_start3A_197 = tpu.memref_slice %arg4[%add3A_195, %dma_start3A_196] : memref<819200x64xf32, #tpu.memory_space<hbm>> -> memref<128x64xf32, #tpu.memory_space<hbm>>
      %dma_start3A_198 = arith.constant 0 : i32
      %dma_start3A_199 = tpu.memref_slice %arg4[%add3A_195, %dma_start3A_198] : memref<819200x64xf32, #tpu.memory_space<hbm>> -> memref<128x64xf32, #tpu.memory_space<hbm>>
      tpu.enqueue_dma source(%arg10 : memref<128x64xf32, #tpu.memory_space<vmem>>) target(%dma_start3A_199 : memref<128x64xf32, #tpu.memory_space<hbm>>) target_semaphore(%arg26 : memref<!tpu.dma_semaphore, #tpu.memory_space<semaphore_mem>>)
      %dma_wait3A_200 = tpu.memref_slice %arg5[%add3A_118] : memref<25600xi32, #tpu.memory_space<vmem>> -> memref<128xi32, #tpu.memory_space<vmem>>
      %dma_wait3A_201 = arith.constant 0 : i32
      %dma_wait3A_202 = arith.constant 0 : i32
      %dma_wait3A_203 = tpu.memref_slice %arg3[%dma_wait3A_201, %dma_wait3A_202] : memref<1000000x64xf32, #tpu.memory_space<hbm>> -> memref<1000000x64xf32, #tpu.memory_space<hbm>>
      tpu.wait_indirect_dma semaphore(%arg19 : memref<!tpu.dma_semaphore, #tpu.memory_space<semaphore_mem>>) src(%dma_wait3A_203 : memref<1000000x64xf32, #tpu.memory_space<hbm>>) dst(%arg11 : memref<128x64xf32, #tpu.memory_space<vmem>>)
      %add3A_204 = arith.addi %mul3A_2, %mul3A_60 : i32
      %add3A_205 = arith.constant 640 : i32
      %add3A_206 = arith.addi %add3A_204, %add3A_205 : i32
      %dma_start3A_207 = arith.constant 0 : i32
      %dma_start3A_208 = tpu.memref_slice %arg4[%add3A_206, %dma_start3A_207] : memref<819200x64xf32, #tpu.memory_space<hbm>> -> memref<128x64xf32, #tpu.memory_space<hbm>>
      %dma_start3A_209 = arith.constant 0 : i32
      %dma_start3A_210 = tpu.memref_slice %arg4[%add3A_206, %dma_start3A_209] : memref<819200x64xf32, #tpu.memory_space<hbm>> -> memref<128x64xf32, #tpu.memory_space<hbm>>
      tpu.enqueue_dma source(%arg11 : memref<128x64xf32, #tpu.memory_space<vmem>>) target(%dma_start3A_210 : memref<128x64xf32, #tpu.memory_space<hbm>>) target_semaphore(%arg27 : memref<!tpu.dma_semaphore, #tpu.memory_space<semaphore_mem>>)
      %dma_wait3A_211 = tpu.memref_slice %arg5[%add3A_129] : memref<25600xi32, #tpu.memory_space<vmem>> -> memref<128xi32, #tpu.memory_space<vmem>>
      %dma_wait3A_212 = arith.constant 0 : i32
      %dma_wait3A_213 = arith.constant 0 : i32
      %dma_wait3A_214 = tpu.memref_slice %arg3[%dma_wait3A_212, %dma_wait3A_213] : memref<1000000x64xf32, #tpu.memory_space<hbm>> -> memref<1000000x64xf32, #tpu.memory_space<hbm>>
      tpu.wait_indirect_dma semaphore(%arg20 : memref<!tpu.dma_semaphore, #tpu.memory_space<semaphore_mem>>) src(%dma_wait3A_214 : memref<1000000x64xf32, #tpu.memory_space<hbm>>) dst(%arg12 : memref<128x64xf32, #tpu.memory_space<vmem>>)
      %add3A_215 = arith.addi %mul3A_2, %mul3A_60 : i32
      %add3A_216 = arith.constant 768 : i32
      %add3A_217 = arith.addi %add3A_215, %add3A_216 : i32
      %dma_start3A_218 = arith.constant 0 : i32
      %dma_start3A_219 = tpu.memref_slice %arg4[%add3A_217, %dma_start3A_218] : memref<819200x64xf32, #tpu.memory_space<hbm>> -> memref<128x64xf32, #tpu.memory_space<hbm>>
      %dma_start3A_220 = arith.constant 0 : i32
      %dma_start3A_221 = tpu.memref_slice %arg4[%add3A_217, %dma_start3A_220] : memref<819200x64xf32, #tpu.memory_space<hbm>> -> memref<128x64xf32, #tpu.memory_space<hbm>>
      tpu.enqueue_dma source(%arg12 : memref<128x64xf32, #tpu.memory_space<vmem>>) target(%dma_start3A_221 : memref<128x64xf32, #tpu.memory_space<hbm>>) target_semaphore(%arg28 : memref<!tpu.dma_semaphore, #tpu.memory_space<semaphore_mem>>)
      %dma_wait3A_222 = tpu.memref_slice %arg5[%add3A_140] : memref<25600xi32, #tpu.memory_space<vmem>> -> memref<128xi32, #tpu.memory_space<vmem>>
      %dma_wait3A_223 = arith.constant 0 : i32
      %dma_wait3A_224 = arith.constant 0 : i32
      %dma_wait3A_225 = tpu.memref_slice %arg3[%dma_wait3A_223, %dma_wait3A_224] : memref<1000000x64xf32, #tpu.memory_space<hbm>> -> memref<1000000x64xf32, #tpu.memory_space<hbm>>
      tpu.wait_indirect_dma semaphore(%arg21 : memref<!tpu.dma_semaphore, #tpu.memory_space<semaphore_mem>>) src(%dma_wait3A_225 : memref<1000000x64xf32, #tpu.memory_space<hbm>>) dst(%arg13 : memref<128x64xf32, #tpu.memory_space<vmem>>)
      %add3A_226 = arith.addi %mul3A_2, %mul3A_60 : i32
      %add3A_227 = arith.constant 896 : i32
      %add3A_228 = arith.addi %add3A_226, %add3A_227 : i32
      %dma_start3A_229 = arith.constant 0 : i32
      %dma_start3A_230 = tpu.memref_slice %arg4[%add3A_228, %dma_start3A_229] : memref<819200x64xf32, #tpu.memory_space<hbm>> -> memref<128x64xf32, #tpu.memory_space<hbm>>
      %dma_start3A_231 = arith.constant 0 : i32
      %dma_start3A_232 = tpu.memref_slice %arg4[%add3A_228, %dma_start3A_231] : memref<819200x64xf32, #tpu.memory_space<hbm>> -> memref<128x64xf32, #tpu.memory_space<hbm>>
      tpu.enqueue_dma source(%arg13 : memref<128x64xf32, #tpu.memory_space<vmem>>) target(%dma_start3A_232 : memref<128x64xf32, #tpu.memory_space<hbm>>) target_semaphore(%arg29 : memref<!tpu.dma_semaphore, #tpu.memory_space<semaphore_mem>>)
    }
    %scan3A_6 = arith.constant 25 : i32
    %dma_wait3A = arith.constant 0 : i32
    %dma_wait3A_7 = arith.constant 0 : i32
    %dma_wait3A_8 = tpu.memref_slice %arg4[%dma_wait3A, %dma_wait3A_7] : memref<819200x64xf32, #tpu.memory_space<hbm>> -> memref<128x64xf32, #tpu.memory_space<hbm>>
    %dma_wait3A_9 = arith.constant 0 : i32
    %dma_wait3A_10 = arith.constant 0 : i32
    %dma_wait3A_11 = tpu.memref_slice %arg4[%dma_wait3A_9, %dma_wait3A_10] : memref<819200x64xf32, #tpu.memory_space<hbm>> -> memref<128x64xf32, #tpu.memory_space<hbm>>
    tpu.wait_dma2 semaphore(%arg22 : memref<!tpu.dma_semaphore, #tpu.memory_space<semaphore_mem>>) src(%arg6 : memref<128x64xf32, #tpu.memory_space<vmem>>) dst(%dma_wait3A_11 : memref<128x64xf32, #tpu.memory_space<hbm>>)
    %dma_wait3A_12 = arith.constant 0 : i32
    %dma_wait3A_13 = arith.constant 0 : i32
    %dma_wait3A_14 = tpu.memref_slice %arg4[%dma_wait3A_12, %dma_wait3A_13] : memref<819200x64xf32, #tpu.memory_space<hbm>> -> memref<128x64xf32, #tpu.memory_space<hbm>>
    %dma_wait3A_15 = arith.constant 0 : i32
    %dma_wait3A_16 = arith.constant 0 : i32
    %dma_wait3A_17 = tpu.memref_slice %arg4[%dma_wait3A_15, %dma_wait3A_16] : memref<819200x64xf32, #tpu.memory_space<hbm>> -> memref<128x64xf32, #tpu.memory_space<hbm>>
    tpu.wait_dma2 semaphore(%arg23 : memref<!tpu.dma_semaphore, #tpu.memory_space<semaphore_mem>>) src(%arg7 : memref<128x64xf32, #tpu.memory_space<vmem>>) dst(%dma_wait3A_17 : memref<128x64xf32, #tpu.memory_space<hbm>>)
    %dma_wait3A_18 = arith.constant 0 : i32
    %dma_wait3A_19 = arith.constant 0 : i32
    %dma_wait3A_20 = tpu.memref_slice %arg4[%dma_wait3A_18, %dma_wait3A_19] : memref<819200x64xf32, #tpu.memory_space<hbm>> -> memref<128x64xf32, #tpu.memory_space<hbm>>
    %dma_wait3A_21 = arith.constant 0 : i32
    %dma_wait3A_22 = arith.constant 0 : i32
    %dma_wait3A_23 = tpu.memref_slice %arg4[%dma_wait3A_21, %dma_wait3A_22] : memref<819200x64xf32, #tpu.memory_space<hbm>> -> memref<128x64xf32, #tpu.memory_space<hbm>>
    tpu.wait_dma2 semaphore(%arg24 : memref<!tpu.dma_semaphore, #tpu.memory_space<semaphore_mem>>) src(%arg8 : memref<128x64xf32, #tpu.memory_space<vmem>>) dst(%dma_wait3A_23 : memref<128x64xf32, #tpu.memory_space<hbm>>)
    %dma_wait3A_24 = arith.constant 0 : i32
    %dma_wait3A_25 = arith.constant 0 : i32
    %dma_wait3A_26 = tpu.memref_slice %arg4[%dma_wait3A_24, %dma_wait3A_25] : memref<819200x64xf32, #tpu.memory_space<hbm>> -> memref<128x64xf32, #tpu.memory_space<hbm>>
    %dma_wait3A_27 = arith.constant 0 : i32
    %dma_wait3A_28 = arith.constant 0 : i32
    %dma_wait3A_29 = tpu.memref_slice %arg4[%dma_wait3A_27, %dma_wait3A_28] : memref<819200x64xf32, #tpu.memory_space<hbm>> -> memref<128x64xf32, #tpu.memory_space<hbm>>
    tpu.wait_dma2 semaphore(%arg25 : memref<!tpu.dma_semaphore, #tpu.memory_space<semaphore_mem>>) src(%arg9 : memref<128x64xf32, #tpu.memory_space<vmem>>) dst(%dma_wait3A_29 : memref<128x64xf32, #tpu.memory_space<hbm>>)
    %dma_wait3A_30 = arith.constant 0 : i32
    %dma_wait3A_31 = arith.constant 0 : i32
    %dma_wait3A_32 = tpu.memref_slice %arg4[%dma_wait3A_30, %dma_wait3A_31] : memref<819200x64xf32, #tpu.memory_space<hbm>> -> memref<128x64xf32, #tpu.memory_space<hbm>>
    %dma_wait3A_33 = arith.constant 0 : i32
    %dma_wait3A_34 = arith.constant 0 : i32
    %dma_wait3A_35 = tpu.memref_slice %arg4[%dma_wait3A_33, %dma_wait3A_34] : memref<819200x64xf32, #tpu.memory_space<hbm>> -> memref<128x64xf32, #tpu.memory_space<hbm>>
    tpu.wait_dma2 semaphore(%arg26 : memref<!tpu.dma_semaphore, #tpu.memory_space<semaphore_mem>>) src(%arg10 : memref<128x64xf32, #tpu.memory_space<vmem>>) dst(%dma_wait3A_35 : memref<128x64xf32, #tpu.memory_space<hbm>>)
    %dma_wait3A_36 = arith.constant 0 : i32
    %dma_wait3A_37 = arith.constant 0 : i32
    %dma_wait3A_38 = tpu.memref_slice %arg4[%dma_wait3A_36, %dma_wait3A_37] : memref<819200x64xf32, #tpu.memory_space<hbm>> -> memref<128x64xf32, #tpu.memory_space<hbm>>
    %dma_wait3A_39 = arith.constant 0 : i32
    %dma_wait3A_40 = arith.constant 0 : i32
    %dma_wait3A_41 = tpu.memref_slice %arg4[%dma_wait3A_39, %dma_wait3A_40] : memref<819200x64xf32, #tpu.memory_space<hbm>> -> memref<128x64xf32, #tpu.memory_space<hbm>>
    tpu.wait_dma2 semaphore(%arg27 : memref<!tpu.dma_semaphore, #tpu.memory_space<semaphore_mem>>) src(%arg11 : memref<128x64xf32, #tpu.memory_space<vmem>>) dst(%dma_wait3A_41 : memref<128x64xf32, #tpu.memory_space<hbm>>)
    %dma_wait3A_42 = arith.constant 0 : i32
    %dma_wait3A_43 = arith.constant 0 : i32
    %dma_wait3A_44 = tpu.memref_slice %arg4[%dma_wait3A_42, %dma_wait3A_43] : memref<819200x64xf32, #tpu.memory_space<hbm>> -> memref<128x64xf32, #tpu.memory_space<hbm>>
    %dma_wait3A_45 = arith.constant 0 : i32
    %dma_wait3A_46 = arith.constant 0 : i32
    %dma_wait3A_47 = tpu.memref_slice %arg4[%dma_wait3A_45, %dma_wait3A_46] : memref<819200x64xf32, #tpu.memory_space<hbm>> -> memref<128x64xf32, #tpu.memory_space<hbm>>
    tpu.wait_dma2 semaphore(%arg28 : memref<!tpu.dma_semaphore, #tpu.memory_space<semaphore_mem>>) src(%arg12 : memref<128x64xf32, #tpu.memory_space<vmem>>) dst(%dma_wait3A_47 : memref<128x64xf32, #tpu.memory_space<hbm>>)
    %dma_wait3A_48 = arith.constant 0 : i32
    %dma_wait3A_49 = arith.constant 0 : i32
    %dma_wait3A_50 = tpu.memref_slice %arg4[%dma_wait3A_48, %dma_wait3A_49] : memref<819200x64xf32, #tpu.memory_space<hbm>> -> memref<128x64xf32, #tpu.memory_space<hbm>>
    %dma_wait3A_51 = arith.constant 0 : i32
    %dma_wait3A_52 = arith.constant 0 : i32
    %dma_wait3A_53 = tpu.memref_slice %arg4[%dma_wait3A_51, %dma_wait3A_52] : memref<819200x64xf32, #tpu.memory_space<hbm>> -> memref<128x64xf32, #tpu.memory_space<hbm>>
    tpu.wait_dma2 semaphore(%arg29 : memref<!tpu.dma_semaphore, #tpu.memory_space<semaphore_mem>>) src(%arg13 : memref<128x64xf32, #tpu.memory_space<vmem>>) dst(%dma_wait3A_53 : memref<128x64xf32, #tpu.memory_space<hbm>>)
    return
  }
}

</mosaic_0001>

<sc_bundles>
// kernel: kernel.3.cloned.1.call-start
scs
__scs_entry_jumppad:
0x0: {  	(pc) =	sbr.rel $0x88, $3  }
0x1: {  	(tag) =	ssettag $0x0;
	lr =	simm.s32 $0x1  }
0x2: {  	[smem:$0x3F9F] =	sst lr;
	_ =	strace $0xD0000000  }
0x3: {  	_ = 	snop  }
0x4: {  	_ = 	snop  }
0x5: {  	_ = 	snop  }
0x6: {  	_ = 	snop  }
0x7: {  	_ = 	snop  }
__scs_overlays_trampoline_lowered:
0x8: {  	[smem:$0x3FAE] =	sst s0  }
0x9: {  	[smem:$0x3FAF] =	sst s1  }
0xa: {  	[smem:$0x3FB0] =	sst s2  }
0xb: {  	[smem:$0x3FB1] =	sst s3  }
0xc: {  	[smem:$0x3FB2] =	sst s4  }
0xd: {  	[smem:$0x3FB3] =	sst s5  }
0xe: {  	[smem:$0x3FB4] =	sst s6  }
0xf: {  	[smem:$0x3FB5] =	sst s7  }
0x10: {  	[smem:$0x3FB6] =	sst s8  }
0x11: {  	[smem:$0x3FB7] =	sst s9;
	s0 =	simm.s32 @!p0 $0x0  }
0x12: {  	s1 =	sld [smem:$0x3F9D];
	s0 =	simm.s32 @p0 $0x1  }
0x13: {  	[smem:$0x3FB8] =	sst s0;
	s0 =	simm.s32 @!p1 $0x0  }
0x14: {  	s2 =	sld [smem:$0x3F9C];
	s0 =	simm.s32 @p1 $0x1  }
0x15: {  	[smem:$0x3FB9] =	sst s0;
	s0 =	simm.s32 @!p2 $0x0  }
0x16: {  	s3 =	sld [smem:$0x3FDB];
	s0 =	simm.s32 @p2 $0x1  }
0x17: {  	s4 =	simm.s32 $0x1BF5;
	[smem:$0x3FBB] =	sst s0  }
0x18: {  	s0 =	sld [smem:$0x3F9E];
	_ =	swait.ge [sflag:s4], $0x0  }
0x19: {  	s7 =	sld [smem:$0x3F9F]  }
0x1a: {  	s8 =	sadd.s32 $0xFFFFE003, lr  }
0x1b: {  	s9 =	sadd.s32 $0xFFFFFEF7, lr;
	s5 =	simm.s32 $0xFFFFFFFF;
	p2 =	slt.u32 s8, $0xFFFFF086  }
0x1c: {  	p1 =	slt.u32 s9, $0xF7A;
	s5 =	simm.s32 @!p2 $0x0  }
0x1d: {  	s5 =	simm.s32 @p1 $0x1;
	p0 =	seq.s32 s7, s2  }
0x1e: {  	s7 =	smul.u32 @!p0 $0xF7A, s2;
	p2 =	seq.s32 @!p0 s5, $0x0  }
0x1f: {  	s9 =	smul.u32 $0xF7A, s1;
	s8 =	simm.s32 @!p0 $0x1BF5;
	p2 =	por !p2, p0  }
0x20: {  	[sflag:s8] =	ssyncset.s32 @!p0 $0xFFFFF086;
	s6 =	sadd.s32 @!p0 s3, s7;
	s7 =	simm.s32 @!p0 $0x108  }
0x21: {  	s3 =	sadd.s32 s3, s9;
	s6 =	sadd.s32 @!p0 $0x88, s6;
	s7 =	simm.s32 @p2 $0x1082  }
0x22: {  	[simem:s7], [sflag:s8] =	dma.local @!p0 [hbm:s6], $0xF7A  }
0x23: {  	s9 =	sor.u32 $0xD0000000, s2;
	s6 =	simm.s32 $0x108;
	_ =	swait.ge @!p0 [sflag:s8], $0x0  }
0x24: {  	s3 =	sadd.s32 $0x88, s3;
	s6 =	simm.s32 @!p1 $0x1082;
	[sflag:s4] =	ssyncset.s32 $0xFFFFF086  }
0x25: {  	[simem:s6], [sflag:s4] =	dma.local [hbm:s3], $0xF7A  }
0x26: {  	[smem:$0x3F9F] =	sst s1;
	(tag) =	ssettag s2;
	_ =	strace s9  }
0x27: {  	s1 =	sld [smem:$0x3FAF]  }
0x28: {  	s2 =	sld [smem:$0x3FB0]  }
0x29: {  	s4 =	sld [smem:$0x3FB2]  }
0x2a: {  	p0 =	seq.s32 s5, $0x0;
	s5 =	sld [smem:$0x3FB3]  }
0x2b: {  	s6 =	sld [smem:$0x3FB4]  }
0x2c: {  	s7 =	sld [smem:$0x3FB5]  }
0x2d: {  	s3 =	simm.s32 $0x108;
	s8 =	sld [smem:$0x3FB6]  }
0x2e: {  	s3 =	simm.s32 @!p0 $0x1082;
	s9 =	sld [smem:$0x3FB7]  }
0x2f: {  	lr =	sadd.s32 s0, s3;
	s0 =	sld [smem:$0x3FAE]  }
0x30: {  	s3 =	sld [smem:$0x3FB1]  }
0x31: {  	[smem:$0x3FBA] =	sst s10  }
0x32: {  	s10 =	sld [smem:$0x3FB8];
	_ =	sdelay $0x3  }
0x33: {  	p0 =	seq.s32 s10, $0x1;
	s10 =	sld [smem:$0x3FBA];
	_ =	sdelay $0x3  }
0x34: {  	[smem:$0x3FBA] =	sst s10  }
0x35: {  	s10 =	sld [smem:$0x3FB9];
	_ =	sdelay $0x3  }
0x36: {  	p1 =	seq.s32 s10, $0x1;
	s10 =	sld [smem:$0x3FBA];
	_ =	sdelay $0x3  }
0x37: {  	[smem:$0x3FBA] =	sst s10  }
0x38: {  	s10 =	sld [smem:$0x3FBB]  }
0x39: {  	_ = 	snop;
	(pc) =	sbr.ind lr, $3  }
0x3a: {  	_ = 	snop  }
0x3b: {  	_ = 	snop  }
0x3c: {  	p2 =	seq.s32 s10, $0x1;
	s10 =	sld [smem:$0x3FBA]  }
0x3d: {  	_ =	shalt  }
0x3e: {  	_ =	shalt  }
0x3f: {  	_ =	shalt  }
0x40: {  	_ =	shalt  }
0x41: {  	_ =	shalt  }
0x42: {  	_ =	shalt  }
0x43: {  	_ =	shalt  }
0x44: {  	_ =	shalt  }
0x45: {  	_ =	shalt  }
0x46: {  	_ =	shalt  }
0x47: {  	_ =	shalt  }
0x48: {  	_ =	shalt  }
0x49: {  	_ =	shalt  }
0x4a: {  	_ =	shalt  }
0x4b: {  	_ =	shalt  }
0x4c: {  	_ =	shalt  }
0x4d: {  	_ =	shalt  }
0x4e: {  	_ =	shalt  }
0x4f: {  	_ =	shalt  }
0x50: {  	_ =	shalt  }
0x51: {  	_ =	shalt  }
0x52: {  	_ =	shalt  }
0x53: {  	_ =	shalt  }
0x54: {  	_ =	shalt  }
0x55: {  	_ =	shalt  }
0x56: {  	_ =	shalt  }
0x57: {  	_ =	shalt  }
0x58: {  	_ =	shalt  }
0x59: {  	_ =	shalt  }
0x5a: {  	_ =	shalt  }
0x5b: {  	_ =	shalt  }
0x5c: {  	_ =	shalt  }
0x5d: {  	_ =	shalt  }
0x5e: {  	_ =	shalt  }
0x5f: {  	_ =	shalt  }
0x60: {  	_ =	shalt  }
0x61: {  	_ =	shalt  }
0x62: {  	_ =	shalt  }
0x63: {  	_ =	shalt  }
0x64: {  	_ =	shalt  }
0x65: {  	_ =	shalt  }
0x66: {  	_ =	shalt  }
0x67: {  	_ =	shalt  }
0x68: {  	_ =	shalt  }
0x69: {  	_ =	shalt  }
0x6a: {  	_ =	shalt  }
0x6b: {  	_ =	shalt  }
0x6c: {  	_ =	shalt  }
0x6d: {  	_ =	shalt  }
0x6e: {  	_ =	shalt  }
0x6f: {  	_ =	shalt  }
0x70: {  	_ =	shalt  }
0x71: {  	_ =	shalt  }
0x72: {  	_ =	shalt  }
0x73: {  	_ =	shalt  }
0x74: {  	_ =	shalt  }
0x75: {  	_ =	shalt  }
0x76: {  	_ =	shalt  }
0x77: {  	_ =	shalt  }
0x78: {  	_ =	shalt  }
0x79: {  	_ =	shalt  }
0x7a: {  	_ =	shalt  }
0x7b: {  	_ =	shalt  }
0x7c: {  	_ =	shalt  }
0x7d: {  	_ =	shalt  }
0x7e: {  	_ =	shalt  }
0x7f: {  	_ =	shalt  }
0x80: {  	_ =	shalt  }
0x81: {  	_ =	shalt  }
0x82: {  	_ =	shalt  }
0x83: {  	_ =	shalt  }
0x84: {  	_ =	shalt  }
0x85: {  	_ =	shalt  }
0x86: {  	_ =	shalt  }
0x87: {  	_ =	shalt  }
.Lfunc_end0:
.L_simem_size_0:
called_computation.1_lowered:
.L_overlay_start_0:
0x88: {  	s2 =	sld [smem:$0x3FD9]  }
0x89: {  	s3 =	sld [smem:$0x3FFE];
	_ =	sdelay $0x1  }
0x8a: {  	s1 =	srdreg.scid  }
0x8b: {  	s0 =	sand.u32 $0x1, s1  }
0x8c: {  	s17 =	sshll.u32 s0, $0xA;
	s2 =	sadd.s32 s3, s2  }
0x8d: {  	s2 =	sadd.s32 s2, s17  }
0x8e: {  	[smem:$0x3FC6] =	sst s2  }
0x8f: {  	_ = 	snop  }
0x90: {  	s2 =	sld [smem:$0x3FD0];
	(tm) =	ssettm $0x1  }
0x91: {  	s18 =	sld [smem:$0x3FFB];
	_ =	sdelay $0x3  }
0x92: {  	_ =	strace s18  }
0x93: {  	s3 =	sld [smem:$0x3FFC];
	_ =	sdelay $0x3  }
0x94: {  	_ =	strace s3  }
0x95: {  	s3 =	sld [smem:$0x3FFD];
	_ =	sdelay $0x3  }
0x96: {  	_ =	strace s3  }
0x97: {  	_ =	strace $0x8FFFFFFF  }
0x98: {  	s19 =	sld [smem:$0x3FDB];
	_ =	sdelay $0x1  }
0x99: {  	s4 =	simm.s32 $_scs_section_size  }
0x9a: {  	s5 =	simm.s32 $_size__tile_overlayer_lowered;
	s6 =	simm.s32 $_tile_overlayer_lowered  }
0x9b: {  	s22 =	simm.s32 $0x1BFF;
	s21 =	sshll.u32 s6, $0x1;
	s3 =	sadd.s32 s4, s19  }
0x9c: {  	s7 =	simm.s32 $0x0;
	s20 =	sshll.u32 s5, $0x1;
	s5 =	sadd.s32 s21, s3  }
0x9d: {  	[timem:s7], [sflag:s22] =	dma.local [hbm:s5], s20  }
0x9e: {  	_ =	swait.ge [sflag:s22], s20  }
0x9f: {  	s4 =	ssub.s32 $0x0, s20;
	[sflag:s22] =	ssyncset.done $0x0  }
0xa0: {  	[sflag:s22] =	ssyncadd.s32 s4;
	_ =	sdelay $0x1  }
0xa1: {  	s23 =	simm.s32 $0x1B8B  }
0xa2: {  	_ =	swait.ge [sflag:s23], $0x1  }
0xa3: {  	[sflag:s23] =	ssyncset.done $0x0  }
0xa4: {  	s25 =	simm.s32 $0x1B8E;
	s24 =	sld [smem:$0x3FFE];
	[sflag:s23] =	ssyncadd.s32 $0xFFFFFFFF  }
0xa5: {  	s26 =	simm.s32 $execute0_lowered;
	[smem:$0x3FD2] =	sst s25  }
0xa6: {  	s5 =	sshll.u32 s26, $0x1;
	_ =	strace $0x80000046;
	[dreg:$0x1] =	wrdreg $0xFFFFFFFF  }
0xa7: {  	s28 =	simm.s32 $_size_execute0_lowered;
	s3 =	sadd.s32 s3, s5;
	[dreg:$0x0] =	wrdreg $0x0  }
0xa8: {  	s5 =	sshll.u32 s28, $0x1;
	[dreg:$0x2] =	wrdreg s3  }
0xa9: {  	[dreg:$0x3] =	wrdreg s5  }
0xaa: {  	[dreg:$0x4] =	wrdreg $0xC0  }
0xab: {  	_ =	task [dreg:s7], $0x5FFFF  }
0xac: {  	[dreg:$0x1] =	wrdreg $0xFFFFFFFF  }
0xad: {  	[dreg:$0x0] =	wrdreg $0x60  }
0xae: {  	[dreg:$0x2] =	wrdreg s24  }
0xaf: {  	[dreg:$0x3] =	wrdreg s2  }
0xb0: {  	[dreg:$0x4] =	wrdreg $0x9  }
0xb1: {  	_ =	task.clear_ibuf [dreg:s7], $0x5FFFF;
	_ =	strace $0x90000046  }
0xb2: {  	s29 =	simm.s32 $0x9;
	_ =	strace $0x80000048  }
0xb3: {  	_ =	swait.ge [sflag:s29], $0x1  }
0xb4: {  	[sflag:s29] =	ssyncadd.s32 $0xFFFFFFFF  }
0xb5: {  	_ =	strace $0x90000048  }
0xb6: {  	_ =	sfence  }
0xb7: {  	s30 =	sld [smem:$0x0];
	_ =	sdelay $0x2  }
0xb8: {  	s31 =	sshll.u32 s1, $0xD;
	s1 =	sshrl.u32 s1, $0x2  }
0xb9: {  	s3 =	sand.u32 $0x4000, s31;
	s1 =	sadd.s32 s1, s30  }
0xba: {  	s0 =	sor.u32 s3, s0;
	s1 =	sshll.u32 s1, $0x11  }
0xbb: {  	s0 =	sor.u32 s1, s0  }
0xbc: {  	s0 =	sadd.s32 $0x8F2B, s0  }
0xbd: {  	[sflag:s0] =	ssyncadd.remote.s32 $0x1  }
0xbe: {  	_ =	sfence.sel $0xFFFF  }
0xbf: {  	[dreg:$0x0] =	wrdreg $0xFFFFFFFF;
	(pc) =	sbr.abs _section_cstart, $3  }
0xc0: {  	[dreg:$0x1] =	wrdreg $0xFFFFFFFF  }
0xc1: {  	_ =	task.clear_ibuf [dreg:s7], $0x2FFFF;
	_ =	strace $0x9FFFFFFF  }
0xc2: {  	(tm) =	ssettm $0x7FFFFFFF  }
0xc3: {  	_ =	shalt  }
tec
execute0_lowered:
.L_overlay_start_1:
0x0: {  	(tag) =	ssettag $0x1  }
0x1: {  	s1 =	srdreg.scid  }
0x2: {  	s0 =	stileid.u32;
	s3 =	rddreg [dreg:$0x0]  }
0x3: {  	s6 =	rddreg [dreg:$0x1];
	s2 =	simm.s32 $0x0;
	s31 =	simm.s32 $0x80  }
0x4: {  	s10 =	simm.s32 $0x6400;
	s11 =	simm.s32 $0x8400;
	s12 =	simm.s32 $0xA400  }
0x5: {  	s13 =	simm.s32 $0xC400;
	s14 =	simm.s32 $0xE400;
	s15 =	simm.s32 $0x10400  }
0x6: {  	s16 =	simm.s32 $0x12400;
	s19 =	simm.s32 $0xB;
	s20 =	simm.s32 $0xC  }
0x7: {  	s21 =	simm.s32 $0xD;
	s22 =	simm.s32 $0xE;
	s23 =	simm.s32 $0xF  }
0x8: {  	s24 =	simm.s32 $0x10;
	s25 =	simm.s32 $0x0;
	[smem:$0x7FF] =	sst s2  }
0x9: {  	s4 =	sand.u32 $0x1, s1;
	_ =	strace $0x80000047;
	[dreg:$0x3] =	wrdreg s31  }
0xa: {  	s26 =	sshll.u32 s0, $0x1;
	s9 =	smul.u32 $0x64000, s0;
	[dreg:$0x4] =	wrdreg s10  }
0xb: {  	s5 =	sor.u32 s4, s26;
	s7 =	ssub.s32 $0x2, s4;
	[dreg:$0x5] =	wrdreg s11  }
0xc: {  	s28 =	smul.u32 $0x32000, s4;
	s10 =	simm.s32 $0x2;
	[dreg:$0x6] =	wrdreg s12  }
0xd: {  	s11 =	simm.s32 $0x3;
	s12 =	simm.s32 $0x4;
	[dreg:$0x7] =	wrdreg s13  }
0xe: {  	s13 =	simm.s32 $0x5;
	[dreg:$0x8] =	wrdreg s14;
	s14 =	simm.s32 $0x6  }
0xf: {  	[dreg:$0x9] =	wrdreg s15;
	s15 =	simm.s32 $0x7;
	s5 =	smul.u32 $0x6400, s5  }
0x10: {  	[dreg:$0xa] =	wrdreg s16;
	s16 =	simm.s32 $0x8;
	s8 =	sshrl.u32 s7, $0x1  }
0x11: {  	s6 =	sadd.s32 s9, s6;
	s7 =	ssub.s32 s7, s8;
	s5 =	sshrl.u32 s5, $0x3  }
0x12: {  	s9 =	simm.s32 $0x1;
	s30 =	smax.u32 s7, $0x1;
	s5 =	sadd.s32 s5, s3  }
0x13: {  	s6 =	sadd.s32 s28, s6;
	[dreg:$0xc] =	wrdreg s30;
	s29 =	sadd.s32 $0xA00, s5  }
0x14: {  	s8 =	simm.s32 $0x14400;
	s3 =	sadd.s32 $0xF42E00, s3;
	[dreg:$0xb] =	wrdreg s29  }
.LBB2_1:
0x15: {  	s0 =	rddreg [dreg:$0xb];
	s31 =	simm.s32 $0x11;
	p0 =	por $0x1, $0x1  }
0x16: {  	[tilespmem:s2], [sflag:$0x11] =	stream.linear.gather [hbm4b:s0+s2], $0x6400, $0x38;
	[tilespmem:$0x16400] =	vst v63  }
0x17: {  	p0 =	por p0, p0;
	_ =	swait.ge [sflag:s31], $0x6400  }
0x18: {  	s26 =	simm.s32 @p0 $0x0;
	[sflag:s31] =	ssyncset.done $0x0  }
0x19: {  	s28 =	simm.s32 @p0 $0x80;
	s29 =	simm.s32 @p0 $0x6400;
	[sflag:s31] =	ssyncadd.s32 $0xFFFF9C00  }
0x1a: {  	[tilespmem:s29], [sflag:$0x1] =	stream.indirect.gather @p0 [hbm4b:s3+s28], $0x40, s26, s28, $0xb8;
	[tilespmem:$0x16400] =	vst v63  }
0x1b: {  	s26 =	simm.s32 @p0 $0x80;
	s29 =	simm.s32 @p0 $0x8400  }
0x1c: {  	[tilespmem:s29], [sflag:$0x2] =	stream.indirect.gather @p0 [hbm4b:s3+s28], $0x40, s26, s28, $0xb8;
	[tilespmem:$0x16400] =	vst v63  }
0x1d: {  	s26 =	simm.s32 @p0 $0x100;
	s29 =	simm.s32 @p0 $0xA400  }
0x1e: {  	[tilespmem:s29], [sflag:$0x3] =	stream.indirect.gather @p0 [hbm4b:s3+s28], $0x40, s26, s28, $0xb8;
	[tilespmem:$0x16400] =	vst v63  }
0x1f: {  	s26 =	simm.s32 @p0 $0x180;
	s29 =	simm.s32 @p0 $0xC400  }
0x20: {  	[tilespmem:s29], [sflag:$0x4] =	stream.indirect.gather @p0 [hbm4b:s3+s28], $0x40, s26, s28, $0xb8;
	[tilespmem:$0x16400] =	vst v63  }
0x21: {  	s26 =	simm.s32 @p0 $0x200;
	s29 =	simm.s32 @p0 $0xE400  }
0x22: {  	[tilespmem:s29], [sflag:$0x5] =	stream.indirect.gather @p0 [hbm4b:s3+s28], $0x40, s26, s28, $0xb8;
	[tilespmem:$0x16400] =	vst v63  }
0x23: {  	s26 =	simm.s32 @p0 $0x280;
	s29 =	simm.s32 @p0 $0x10400  }
0x24: {  	[tilespmem:s29], [sflag:$0x6] =	stream.indirect.gather @p0 [hbm4b:s3+s28], $0x40, s26, s28, $0xb8;
	[tilespmem:$0x16400] =	vst v63  }
0x25: {  	s30 =	simm.s32 @!p0 $0x9;
	s26 =	simm.s32 @p0 $0x300;
	s29 =	simm.s32 @p0 $0x12400  }
0x26: {  	[tilespmem:s29], [sflag:$0x7] =	stream.indirect.gather @p0 [hbm4b:s3+s28], $0x40, s26, s28, $0xb8;
	[tilespmem:$0x16400] =	vst v63  }
0x27: {  	_ =	swait.ge @!p0 [sflag:s30], $0x2000  }
0x28: {  	s26 =	simm.s32 @!p0 $0x6400;
	s28 =	simm.s32 @!p0 $0xA;
	[sflag:s30] =	ssyncset.done @!p0 $0x0  }
0x29: {  	s29 =	simm.s32 @!p0 $0x0;
	[sflag:s30] =	ssyncadd.s32 @!p0 $0xFFFFE000;
	s30 =	simm.s32 @!p0 $0x80  }
0x2a: {  	[tilespmem:s26], [sflag:$0x1] =	stream.indirect.gather @!p0 [hbm4b:s3+s30], $0x40, s29, s30, $0xb8;
	[tilespmem:$0x16400] =	vst v63  }
0x2b: {  	_ =	swait.ge @!p0 [sflag:s28], $0x2000  }
0x2c: {  	s26 =	simm.s32 @!p0 $0x80;
	[sflag:s28] =	ssyncset.done @!p0 $0x0  }
0x2d: {  	s29 =	simm.s32 @!p0 $0xB;
	[sflag:s28] =	ssyncadd.s32 @!p0 $0xFFFFE000;
	s28 =	simm.s32 @!p0 $0x8400  }
0x2e: {  	[tilespmem:s28], [sflag:$0x2] =	stream.indirect.gather @!p0 [hbm4b:s3+s30], $0x40, s26, s30, $0xb8;
	[tilespmem:$0x16400] =	vst v63  }
0x2f: {  	_ =	swait.ge @!p0 [sflag:s29], $0x2000  }
0x30: {  	s26 =	simm.s32 @!p0 $0x100;
	[sflag:s29] =	ssyncset.done @!p0 $0x0  }
0x31: {  	s28 =	simm.s32 @!p0 $0xA400;
	[sflag:s29] =	ssyncadd.s32 @!p0 $0xFFFFE000;
	s29 =	simm.s32 @!p0 $0xC  }
0x32: {  	[tilespmem:s28], [sflag:$0x3] =	stream.indirect.gather @!p0 [hbm4b:s3+s30], $0x40, s26, s30, $0xb8;
	[tilespmem:$0x16400] =	vst v63  }
0x33: {  	_ =	swait.ge @!p0 [sflag:s29], $0x2000  }
0x34: {  	s26 =	simm.s32 @!p0 $0x180;
	[sflag:s29] =	ssyncset.done @!p0 $0x0  }
0x35: {  	s28 =	simm.s32 @!p0 $0xC400;
	[sflag:s29] =	ssyncadd.s32 @!p0 $0xFFFFE000;
	s29 =	simm.s32 @!p0 $0xD  }
0x36: {  	[tilespmem:s28], [sflag:$0x4] =	stream.indirect.gather @!p0 [hbm4b:s3+s30], $0x40, s26, s30, $0xb8;
	[tilespmem:$0x16400] =	vst v63  }
0x37: {  	_ =	swait.ge @!p0 [sflag:s29], $0x2000  }
0x38: {  	s26 =	simm.s32 @!p0 $0x200;
	[sflag:s29] =	ssyncset.done @!p0 $0x0  }
0x39: {  	s28 =	simm.s32 @!p0 $0xE400;
	[sflag:s29] =	ssyncadd.s32 @!p0 $0xFFFFE000;
	s29 =	simm.s32 @!p0 $0xE  }
0x3a: {  	[tilespmem:s28], [sflag:$0x5] =	stream.indirect.gather @!p0 [hbm4b:s3+s30], $0x40, s26, s30, $0xb8;
	[tilespmem:$0x16400] =	vst v63  }
0x3b: {  	_ =	swait.ge @!p0 [sflag:s29], $0x2000  }
0x3c: {  	s26 =	simm.s32 @!p0 $0x280;
	[sflag:s29] =	ssyncset.done @!p0 $0x0  }
0x3d: {  	s28 =	simm.s32 @!p0 $0x10400;
	[sflag:s29] =	ssyncadd.s32 @!p0 $0xFFFFE000;
	s29 =	simm.s32 @!p0 $0xF  }
0x3e: {  	[tilespmem:s28], [sflag:$0x6] =	stream.indirect.gather @!p0 [hbm4b:s3+s30], $0x40, s26, s30, $0xb8;
	[tilespmem:$0x16400] =	vst v63  }
0x3f: {  	_ =	swait.ge @!p0 [sflag:s29], $0x2000  }
0x40: {  	s26 =	simm.s32 @!p0 $0x300;
	[sflag:s29] =	ssyncset.done @!p0 $0x0  }
0x41: {  	s28 =	simm.s32 @!p0 $0x12400;
	[sflag:s29] =	ssyncadd.s32 @!p0 $0xFFFFE000;
	s29 =	simm.s32 @!p0 $0x10  }
0x42: {  	[tilespmem:s28], [sflag:$0x7] =	stream.indirect.gather @!p0 [hbm4b:s3+s30], $0x40, s26, s30, $0xb8;
	[tilespmem:$0x16400] =	vst v63  }
0x43: {  	_ =	swait.ge @!p0 [sflag:s29], $0x2000  }
0x44: {  	[sflag:s29] =	ssyncset.done @!p0 $0x0  }
0x45: {  	s28 =	simm.s32 $0x380;
	s0 =	rddreg [dreg:$0x3];
	[sflag:s29] =	ssyncadd.s32 @!p0 $0xFFFFE000  }
0x46: {  	[tilespmem:s8], [sflag:$0x8] =	stream.indirect.gather [hbm4b:s3+s0], $0x40, s28, s0, $0xb8;
	[tilespmem:$0x16400] =	vst v63  }
0x47: {  	_ =	swait.ge [sflag:s9], $0x2000  }
0x48: {  	[sflag:s9] =	ssyncset.done $0x0  }
0x49: {  	s1 =	rddreg [dreg:$0x4];
	[sflag:s9] =	ssyncadd.s32 $0xFFFFE000  }
0x4a: {  	[hbm4b:s6+s2] =	stream.linear.scatter [tilespmem:s1], [sflag:$0x9], $0x2000, $0x38;
	[tilespmem:$0x16400] =	vst v63  }
0x4b: {  	_ =	swait.ge [sflag:s10], $0x2000  }
0x4c: {  	[sflag:s10] =	ssyncset.done $0x0  }
0x4d: {  	s28 =	sadd.s32 $0x400, s6;
	s4 =	rddreg [dreg:$0x5];
	[sflag:s10] =	ssyncadd.s32 $0xFFFFE000  }
0x4e: {  	[hbm4b:s28+s2] =	stream.linear.scatter [tilespmem:s4], [sflag:$0xA], $0x2000, $0x38;
	[tilespmem:$0x16400] =	vst v63  }
0x4f: {  	_ =	swait.ge [sflag:s11], $0x2000  }
0x50: {  	[sflag:s11] =	ssyncset.done $0x0  }
0x51: {  	s28 =	sadd.s32 $0x800, s6;
	s5 =	rddreg [dreg:$0x6];
	[sflag:s11] =	ssyncadd.s32 $0xFFFFE000  }
0x52: {  	[hbm4b:s28+s2] =	stream.linear.scatter [tilespmem:s5], [sflag:$0xB], $0x2000, $0x38;
	[tilespmem:$0x16400] =	vst v63  }
0x53: {  	_ =	swait.ge [sflag:s12], $0x2000  }
0x54: {  	[sflag:s12] =	ssyncset.done $0x0  }
0x55: {  	s28 =	sadd.s32 $0xC00, s6;
	s7 =	rddreg [dreg:$0x7];
	[sflag:s12] =	ssyncadd.s32 $0xFFFFE000  }
0x56: {  	[hbm4b:s28+s2] =	stream.linear.scatter [tilespmem:s7], [sflag:$0xC], $0x2000, $0x38;
	[tilespmem:$0x16400] =	vst v63  }
0x57: {  	_ =	swait.ge [sflag:s13], $0x2000  }
0x58: {  	[sflag:s13] =	ssyncset.done $0x0  }
0x59: {  	s28 =	sadd.s32 $0x1000, s6;
	s17 =	rddreg [dreg:$0x8];
	[sflag:s13] =	ssyncadd.s32 $0xFFFFE000  }
0x5a: {  	[hbm4b:s28+s2] =	stream.linear.scatter [tilespmem:s17], [sflag:$0xD], $0x2000, $0x38;
	[tilespmem:$0x16400] =	vst v63  }
0x5b: {  	_ =	swait.ge [sflag:s14], $0x2000  }
0x5c: {  	[sflag:s14] =	ssyncset.done $0x0  }
0x5d: {  	s28 =	sadd.s32 $0x1400, s6;
	s18 =	rddreg [dreg:$0x9];
	[sflag:s14] =	ssyncadd.s32 $0xFFFFE000  }
0x5e: {  	[hbm4b:s28+s2] =	stream.linear.scatter [tilespmem:s18], [sflag:$0xE], $0x2000, $0x38;
	[tilespmem:$0x16400] =	vst v63  }
0x5f: {  	_ =	swait.ge [sflag:s15], $0x2000  }
0x60: {  	[sflag:s15] =	ssyncset.done $0x0  }
0x61: {  	s28 =	sadd.s32 $0x1800, s6;
	s31 =	rddreg [dreg:$0xa];
	[sflag:s15] =	ssyncadd.s32 $0xFFFFE000  }
0x62: {  	[hbm4b:s28+s2] =	stream.linear.scatter [tilespmem:s31], [sflag:$0xF], $0x2000, $0x38;
	[tilespmem:$0x16400] =	vst v63  }
0x63: {  	p6 =	por $0x0, $0x0;
	s30 =	sadd.s32 $0x1C00, s6;
	_ =	swait.ge [sflag:s16], $0x2000  }
0x64: {  	s26 =	sadd.s32 $0x2000, s6;
	s29 =	simm.s32 $0x2000;
	[sflag:s16] =	ssyncset.done $0x0  }
0x65: {  	p0 =	por p6, p6;
	s28 =	simm.s32 $0x1000;
	[sflag:s16] =	ssyncadd.s32 $0xFFFFE000  }
.LBB2_2:
0x66: {  	[hbm4b:s30+s2] =	stream.linear.scatter [tilespmem:s8], [sflag:$0x10], $0x2000, $0x38;
	[tilespmem:$0x16400] =	vst v63  }
0x67: {  	s31 =	sshra.s32 @p0 s28, $0x2;
	s1 =	simm.s32 @p0 $0x80;
	s0 =	simm.s32 @p0 $0x6400  }
0x68: {  	[tilespmem:s0], [sflag:$0x1] =	stream.indirect.gather @p0 [hbm4b:s3+s1], $0x40, s31, s1, $0xb8;
	[tilespmem:$0x16400] =	vst v63  }
0x69: {  	s4 =	simm.s32 @p0 $0x8400;
	s0 =	sadd.s32 @p0 $0x80, s31  }
0x6a: {  	[tilespmem:s4], [sflag:$0x2] =	stream.indirect.gather @p0 [hbm4b:s3+s1], $0x40, s0, s1, $0xb8;
	[tilespmem:$0x16400] =	vst v63  }
0x6b: {  	s0 =	sadd.s32 @p0 $0x100, s31;
	s4 =	simm.s32 @p0 $0xA400  }
0x6c: {  	[tilespmem:s4], [sflag:$0x3] =	stream.indirect.gather @p0 [hbm4b:s3+s1], $0x40, s0, s1, $0xb8;
	[tilespmem:$0x16400] =	vst v63  }
0x6d: {  	s0 =	sadd.s32 @p0 $0x180, s31;
	s4 =	simm.s32 @p0 $0xC400  }
0x6e: {  	[tilespmem:s4], [sflag:$0x4] =	stream.indirect.gather @p0 [hbm4b:s3+s1], $0x40, s0, s1, $0xb8;
	[tilespmem:$0x16400] =	vst v63  }
0x6f: {  	s0 =	sadd.s32 @p0 $0x200, s31;
	s4 =	simm.s32 @p0 $0xE400  }
0x70: {  	[tilespmem:s4], [sflag:$0x5] =	stream.indirect.gather @p0 [hbm4b:s3+s1], $0x40, s0, s1, $0xb8;
	[tilespmem:$0x16400] =	vst v63  }
0x71: {  	s0 =	sadd.s32 @p0 $0x280, s31;
	s4 =	simm.s32 @p0 $0x10400  }
0x72: {  	[tilespmem:s4], [sflag:$0x6] =	stream.indirect.gather @p0 [hbm4b:s3+s1], $0x40, s0, s1, $0xb8;
	[tilespmem:$0x16400] =	vst v63  }
0x73: {  	s0 =	sadd.s32 @p0 $0x300, s31;
	s4 =	simm.s32 @p0 $0x12400;
	s31 =	simm.s32 @!p0 $0x9  }
0x74: {  	[tilespmem:s4], [sflag:$0x7] =	stream.indirect.gather @p0 [hbm4b:s3+s1], $0x40, s0, s1, $0xb8;
	[tilespmem:$0x16400] =	vst v63  }
0x75: {  	_ =	swait.ge @!p0 [sflag:s31], $0x2000  }
0x76: {  	s0 =	simm.s32 @!p0 $0x6400;
	s1 =	simm.s32 @!p0 $0xA;
	[sflag:s31] =	ssyncset.done @!p0 $0x0  }
0x77: {  	s4 =	sshra.s32 @!p0 s28, $0x2;
	[sflag:s31] =	ssyncadd.s32 @!p0 $0xFFFFE000;
	s31 =	simm.s32 @!p0 $0x80  }
0x78: {  	[tilespmem:s0], [sflag:$0x1] =	stream.indirect.gather @!p0 [hbm4b:s3+s31], $0x40, s4, s31, $0xb8;
	[tilespmem:$0x16400] =	vst v63  }
0x79: {  	_ =	swait.ge @!p0 [sflag:s1], $0x2000  }
0x7a: {  	s18 =	simm.s32 @!p0 $0xB;
	[sflag:s1] =	ssyncset.done @!p0 $0x0  }
0x7b: {  	s7 =	sadd.s32 @!p0 $0x80, s4;
	[sflag:s1] =	ssyncadd.s32 @!p0 $0xFFFFE000;
	s1 =	simm.s32 @!p0 $0x8400  }
0x7c: {  	[tilespmem:s1], [sflag:$0x2] =	stream.indirect.gather @!p0 [hbm4b:s3+s31], $0x40, s7, s31, $0xb8;
	[tilespmem:$0x16400] =	vst v63  }
0x7d: {  	_ =	swait.ge @!p0 [sflag:s18], $0x2000  }
0x7e: {  	s0 =	sadd.s32 @!p0 $0x100, s4;
	[sflag:s18] =	ssyncset.done @!p0 $0x0  }
0x7f: {  	s7 =	simm.s32 @!p0 $0xA400;
	[sflag:s18] =	ssyncadd.s32 @!p0 $0xFFFFE000;
	s18 =	simm.s32 @!p0 $0xC  }
0x80: {  	[tilespmem:s7], [sflag:$0x3] =	stream.indirect.gather @!p0 [hbm4b:s3+s31], $0x40, s0, s31, $0xb8;
	[tilespmem:$0x16400] =	vst v63  }
0x81: {  	_ =	swait.ge @!p0 [sflag:s18], $0x2000  }
0x82: {  	s17 =	sadd.s32 @!p0 $0x180, s4;
	[sflag:s18] =	ssyncset.done @!p0 $0x0  }
0x83: {  	s0 =	simm.s32 @!p0 $0xC400;
	s7 =	simm.s32 @!p0 $0xD;
	[sflag:s18] =	ssyncadd.s32 @!p0 $0xFFFFE000  }
0x84: {  	[tilespmem:s0], [sflag:$0x4] =	stream.indirect.gather @!p0 [hbm4b:s3+s31], $0x40, s17, s31, $0xb8;
	[tilespmem:$0x16400] =	vst v63  }
0x85: {  	_ =	swait.ge @!p0 [sflag:s7], $0x2000  }
0x86: {  	s5 =	sadd.s32 @!p0 $0x200, s4;
	[sflag:s7] =	ssyncset.done @!p0 $0x0  }
0x87: {  	s0 =	simm.s32 @!p0 $0xE400;
	[sflag:s7] =	ssyncadd.s32 @!p0 $0xFFFFE000;
	s7 =	simm.s32 @!p0 $0xE  }
0x88: {  	[tilespmem:s0], [sflag:$0x5] =	stream.indirect.gather @!p0 [hbm4b:s3+s31], $0x40, s5, s31, $0xb8;
	[tilespmem:$0x16400] =	vst v63  }
0x89: {  	_ =	swait.ge @!p0 [sflag:s7], $0x2000  }
0x8a: {  	s1 =	sadd.s32 @!p0 $0x280, s4;
	[sflag:s7] =	ssyncset.done @!p0 $0x0  }
0x8b: {  	s0 =	simm.s32 @!p0 $0x10400;
	s5 =	simm.s32 @!p0 $0xF;
	[sflag:s7] =	ssyncadd.s32 @!p0 $0xFFFFE000  }
0x8c: {  	[tilespmem:s0], [sflag:$0x6] =	stream.indirect.gather @!p0 [hbm4b:s3+s31], $0x40, s1, s31, $0xb8;
	[tilespmem:$0x16400] =	vst v63  }
0x8d: {  	_ =	swait.ge @!p0 [sflag:s5], $0x2000  }
0x8e: {  	s4 =	sadd.s32 @!p0 $0x300, s4;
	[sflag:s5] =	ssyncset.done @!p0 $0x0  }
0x8f: {  	s0 =	simm.s32 @!p0 $0x12400;
	s1 =	simm.s32 @!p0 $0x10;
	[sflag:s5] =	ssyncadd.s32 @!p0 $0xFFFFE000  }
0x90: {  	[tilespmem:s0], [sflag:$0x7] =	stream.indirect.gather @!p0 [hbm4b:s3+s31], $0x40, s4, s31, $0xb8;
	[tilespmem:$0x16400] =	vst v63  }
0x91: {  	_ =	swait.ge @!p0 [sflag:s1], $0x2000  }
0x92: {  	s18 =	sshra.s32 s28, $0x2;
	[sflag:s1] =	ssyncset.done @!p0 $0x0  }
0x93: {  	s31 =	sadd.s32 $0x380, s18;
	s17 =	rddreg [dreg:$0x3];
	[sflag:s1] =	ssyncadd.s32 @!p0 $0xFFFFE000  }
0x94: {  	[tilespmem:s8], [sflag:$0x8] =	stream.indirect.gather [hbm4b:s3+s17], $0x40, s31, s17, $0xb8;
	[tilespmem:$0x16400] =	vst v63  }
0x95: {  	_ =	swait.ge [sflag:s9], $0x2000  }
0x96: {  	[sflag:s9] =	ssyncset.done $0x0  }
0x97: {  	s1 =	rddreg [dreg:$0x4];
	[sflag:s9] =	ssyncadd.s32 $0xFFFFE000  }
0x98: {  	[hbm4b:s26+s2] =	stream.linear.scatter [tilespmem:s1], [sflag:$0x9], $0x2000, $0x38;
	[tilespmem:$0x16400] =	vst v63  }
0x99: {  	_ =	swait.ge [sflag:s10], $0x2000  }
0x9a: {  	[sflag:s10] =	ssyncset.done $0x0  }
0x9b: {  	s5 =	sadd.s32 $0x400, s26;
	s4 =	rddreg [dreg:$0x5];
	[sflag:s10] =	ssyncadd.s32 $0xFFFFE000  }
0x9c: {  	[hbm4b:s5+s2] =	stream.linear.scatter [tilespmem:s4], [sflag:$0xA], $0x2000, $0x38;
	[tilespmem:$0x16400] =	vst v63  }
0x9d: {  	_ =	swait.ge [sflag:s11], $0x2000  }
0x9e: {  	[sflag:s11] =	ssyncset.done $0x0  }
0x9f: {  	s17 =	sadd.s32 $0x800, s26;
	s7 =	rddreg [dreg:$0x6];
	[sflag:s11] =	ssyncadd.s32 $0xFFFFE000  }
0xa0: {  	[hbm4b:s17+s2] =	stream.linear.scatter [tilespmem:s7], [sflag:$0xB], $0x2000, $0x38;
	[tilespmem:$0x16400] =	vst v63  }
0xa1: {  	_ =	swait.ge [sflag:s12], $0x2000  }
0xa2: {  	[sflag:s12] =	ssyncset.done $0x0  }
0xa3: {  	s31 =	sadd.s32 $0xC00, s26;
	s18 =	rddreg [dreg:$0x7];
	[sflag:s12] =	ssyncadd.s32 $0xFFFFE000  }
0xa4: {  	[hbm4b:s31+s2] =	stream.linear.scatter [tilespmem:s18], [sflag:$0xC], $0x2000, $0x38;
	[tilespmem:$0x16400] =	vst v63  }
0xa5: {  	_ =	swait.ge [sflag:s13], $0x2000  }
0xa6: {  	[sflag:s13] =	ssyncset.done $0x0  }
0xa7: {  	s5 =	sadd.s32 $0x1000, s26;
	s4 =	rddreg [dreg:$0x8];
	[sflag:s13] =	ssyncadd.s32 $0xFFFFE000  }
0xa8: {  	[hbm4b:s5+s2] =	stream.linear.scatter [tilespmem:s4], [sflag:$0xD], $0x2000, $0x38;
	[tilespmem:$0x16400] =	vst v63  }
0xa9: {  	_ =	swait.ge [sflag:s14], $0x2000  }
0xaa: {  	s30 =	smov.u32 s29;
	[sflag:s14] =	ssyncset.done $0x0  }
0xab: {  	s17 =	sadd.s32 $0x1400, s26;
	s7 =	rddreg [dreg:$0x9];
	[sflag:s14] =	ssyncadd.s32 $0xFFFFE000  }
0xac: {  	[hbm4b:s17+s2] =	stream.linear.scatter [tilespmem:s7], [sflag:$0xE], $0x2000, $0x38;
	[tilespmem:$0x16400] =	vst v63  }
0xad: {  	p2 =	seq.s32 s29, $0x0;
	s29 =	sadd.s32 $0x1000, s29;
	_ =	swait.ge [sflag:s15], $0x2000  }
0xae: {  	p1 =	sne.s32 s29, $0x19000;
	s31 =	sadd.s32 $0x1800, s26;
	[sflag:s15] =	ssyncset.done $0x0  }
.Ltmp0:
0xaf: {  	s18 =	rddreg [dreg:$0xa];
	[sflag:s15] =	ssyncadd.s32 $0xFFFFE000;
	(pc) =	sbr.rel @p1 .LBB2_2-.Ltmp0, $4  }
0xb0: {  	[hbm4b:s31+s2] =	stream.linear.scatter [tilespmem:s18], [sflag:$0xF], $0x2000, $0x38;
	[tilespmem:$0x16400] =	vst v63  }
0xb1: {  	_ =	swait.ge [sflag:s16], $0x2000  }
0xb2: {  	s28 =	smov.u32 s30;
	s30 =	sadd.s32 $0x1C00, s26;
	[sflag:s16] =	ssyncset.done $0x0  }
0xb3: {  	p0 =	por p2, p2;
	s26 =	sadd.s32 $0x2000, s26;
	[sflag:s16] =	ssyncadd.s32 $0xFFFFE000  }
0xb4: {  	[hbm4b:s30+s2] =	stream.linear.scatter [tilespmem:s8], [sflag:$0x10], $0x2000, $0x38;
	[tilespmem:$0x16400] =	vst v63  }
0xb5: {  	s0 =	sshra.s32 @p0 s28, $0x2;
	s1 =	simm.s32 @p0 $0x80;
	s4 =	simm.s32 @p0 $0x6400  }
0xb6: {  	[tilespmem:s4], [sflag:$0x1] =	stream.indirect.gather @p0 [hbm4b:s3+s1], $0x40, s0, s1, $0xb8;
	[tilespmem:$0x16400] =	vst v63  }
0xb7: {  	s5 =	simm.s32 @p0 $0x8400;
	s4 =	sadd.s32 @p0 $0x80, s0  }
0xb8: {  	[tilespmem:s5], [sflag:$0x2] =	stream.indirect.gather @p0 [hbm4b:s3+s1], $0x40, s4, s1, $0xb8;
	[tilespmem:$0x16400] =	vst v63  }
0xb9: {  	s4 =	sadd.s32 @p0 $0x100, s0;
	s5 =	simm.s32 @p0 $0xA400  }
0xba: {  	[tilespmem:s5], [sflag:$0x3] =	stream.indirect.gather @p0 [hbm4b:s3+s1], $0x40, s4, s1, $0xb8;
	[tilespmem:$0x16400] =	vst v63  }
0xbb: {  	s4 =	sadd.s32 @p0 $0x180, s0;
	s5 =	simm.s32 @p0 $0xC400  }
0xbc: {  	[tilespmem:s5], [sflag:$0x4] =	stream.indirect.gather @p0 [hbm4b:s3+s1], $0x40, s4, s1, $0xb8;
	[tilespmem:$0x16400] =	vst v63  }
0xbd: {  	s4 =	sadd.s32 @p0 $0x200, s0;
	s5 =	simm.s32 @p0 $0xE400  }
0xbe: {  	[tilespmem:s5], [sflag:$0x5] =	stream.indirect.gather @p0 [hbm4b:s3+s1], $0x40, s4, s1, $0xb8;
	[tilespmem:$0x16400] =	vst v63  }
0xbf: {  	s4 =	sadd.s32 @p0 $0x280, s0;
	s5 =	simm.s32 @p0 $0x10400  }
0xc0: {  	[tilespmem:s5], [sflag:$0x6] =	stream.indirect.gather @p0 [hbm4b:s3+s1], $0x40, s4, s1, $0xb8;
	[tilespmem:$0x16400] =	vst v63  }
0xc1: {  	s0 =	sadd.s32 @p0 $0x300, s0;
	s4 =	simm.s32 @p0 $0x12400;
	s5 =	simm.s32 @!p0 $0x9  }
0xc2: {  	[tilespmem:s4], [sflag:$0x7] =	stream.indirect.gather @p0 [hbm4b:s3+s1], $0x40, s0, s1, $0xb8;
	[tilespmem:$0x16400] =	vst v63  }
0xc3: {  	_ =	swait.ge @!p0 [sflag:s5], $0x2000  }
0xc4: {  	s0 =	simm.s32 @!p0 $0x6400;
	s1 =	simm.s32 @!p0 $0xA;
	[sflag:s5] =	ssyncset.done @!p0 $0x0  }
0xc5: {  	s4 =	sshra.s32 @!p0 s28, $0x2;
	[sflag:s5] =	ssyncadd.s32 @!p0 $0xFFFFE000;
	s5 =	simm.s32 @!p0 $0x80  }
0xc6: {  	[tilespmem:s0], [sflag:$0x1] =	stream.indirect.gather @!p0 [hbm4b:s3+s5], $0x40, s4, s5, $0xb8;
	[tilespmem:$0x16400] =	vst v63  }
0xc7: {  	_ =	swait.ge @!p0 [sflag:s1], $0x2000  }
0xc8: {  	[sflag:s1] =	ssyncset.done @!p0 $0x0  }
0xc9: {  	s0 =	sadd.s32 @!p0 $0x80, s4;
	[sflag:s1] =	ssyncadd.s32 @!p0 $0xFFFFE000;
	s1 =	simm.s32 @!p0 $0x8400  }
0xca: {  	[tilespmem:s1], [sflag:$0x2] =	stream.indirect.gather @!p0 [hbm4b:s3+s5], $0x40, s0, s5, $0xb8;
	[tilespmem:$0x16400] =	vst v63  }
0xcb: {  	s0 =	simm.s32 @!p0 $0xB  }
0xcc: {  	_ =	swait.ge @!p0 [sflag:s0], $0x2000  }
0xcd: {  	[sflag:s0] =	ssyncset.done @!p0 $0x0  }
0xce: {  	s1 =	sadd.s32 @!p0 $0x100, s4;
	[sflag:s0] =	ssyncadd.s32 @!p0 $0xFFFFE000;
	s0 =	simm.s32 @!p0 $0xA400  }
0xcf: {  	[tilespmem:s0], [sflag:$0x3] =	stream.indirect.gather @!p0 [hbm4b:s3+s5], $0x40, s1, s5, $0xb8;
	[tilespmem:$0x16400] =	vst v63  }
0xd0: {  	s0 =	simm.s32 @!p0 $0xC  }
0xd1: {  	_ =	swait.ge @!p0 [sflag:s0], $0x2000  }
0xd2: {  	[sflag:s0] =	ssyncset.done @!p0 $0x0  }
0xd3: {  	s1 =	sadd.s32 @!p0 $0x180, s4;
	[sflag:s0] =	ssyncadd.s32 @!p0 $0xFFFFE000;
	s0 =	simm.s32 @!p0 $0xC400  }
0xd4: {  	[tilespmem:s0], [sflag:$0x4] =	stream.indirect.gather @!p0 [hbm4b:s3+s5], $0x40, s1, s5, $0xb8;
	[tilespmem:$0x16400] =	vst v63  }
0xd5: {  	s0 =	simm.s32 @!p0 $0xD  }
0xd6: {  	_ =	swait.ge @!p0 [sflag:s0], $0x2000  }
0xd7: {  	[sflag:s0] =	ssyncset.done @!p0 $0x0  }
0xd8: {  	s1 =	sadd.s32 @!p0 $0x200, s4;
	[sflag:s0] =	ssyncadd.s32 @!p0 $0xFFFFE000;
	s0 =	simm.s32 @!p0 $0xE400  }
0xd9: {  	[tilespmem:s0], [sflag:$0x5] =	stream.indirect.gather @!p0 [hbm4b:s3+s5], $0x40, s1, s5, $0xb8;
	[tilespmem:$0x16400] =	vst v63  }
0xda: {  	s0 =	simm.s32 @!p0 $0xE  }
0xdb: {  	_ =	swait.ge @!p0 [sflag:s0], $0x2000  }
0xdc: {  	[sflag:s0] =	ssyncset.done @!p0 $0x0  }
0xdd: {  	s1 =	sadd.s32 @!p0 $0x280, s4;
	[sflag:s0] =	ssyncadd.s32 @!p0 $0xFFFFE000;
	s0 =	simm.s32 @!p0 $0x10400  }
0xde: {  	[tilespmem:s0], [sflag:$0x6] =	stream.indirect.gather @!p0 [hbm4b:s3+s5], $0x40, s1, s5, $0xb8;
	[tilespmem:$0x16400] =	vst v63  }
0xdf: {  	s0 =	simm.s32 @!p0 $0xF  }
0xe0: {  	_ =	swait.ge @!p0 [sflag:s0], $0x2000  }
0xe1: {  	[sflag:s0] =	ssyncset.done @!p0 $0x0  }
0xe2: {  	s1 =	sadd.s32 @!p0 $0x300, s4;
	[sflag:s0] =	ssyncadd.s32 @!p0 $0xFFFFE000;
	s0 =	simm.s32 @!p0 $0x12400  }
0xe3: {  	[tilespmem:s0], [sflag:$0x7] =	stream.indirect.gather @!p0 [hbm4b:s3+s5], $0x40, s1, s5, $0xb8;
	[tilespmem:$0x16400] =	vst v63  }
0xe4: {  	s0 =	simm.s32 @!p0 $0x10  }
0xe5: {  	_ =	swait.ge @!p0 [sflag:s0], $0x2000  }
0xe6: {  	s31 =	sshra.s32 s28, $0x2;
	[sflag:s0] =	ssyncset.done @!p0 $0x0  }
0xe7: {  	s5 =	sadd.s32 $0x380, s31;
	s30 =	rddreg [dreg:$0x3];
	[sflag:s0] =	ssyncadd.s32 @!p0 $0xFFFFE000  }
0xe8: {  	[tilespmem:s8], [sflag:$0x8] =	stream.indirect.gather [hbm4b:s3+s30], $0x40, s5, s30, $0xb8;
	[tilespmem:$0x16400] =	vst v63  }
0xe9: {  	_ =	swait.ge [sflag:s9], $0x2000  }
0xea: {  	[sflag:s9] =	ssyncset.done $0x0  }
0xeb: {  	s7 =	rddreg [dreg:$0x4];
	[sflag:s9] =	ssyncadd.s32 $0xFFFFE000  }
0xec: {  	[hbm4b:s26+s2] =	stream.linear.scatter [tilespmem:s7], [sflag:$0x9], $0x2000, $0x38;
	[tilespmem:$0x16400] =	vst v63  }
0xed: {  	_ =	swait.ge [sflag:s10], $0x2000  }
0xee: {  	[sflag:s10] =	ssyncset.done $0x0  }
0xef: {  	s18 =	sadd.s32 $0x400, s26;
	s17 =	rddreg [dreg:$0x5];
	[sflag:s10] =	ssyncadd.s32 $0xFFFFE000  }
0xf0: {  	[hbm4b:s18+s2] =	stream.linear.scatter [tilespmem:s17], [sflag:$0xA], $0x2000, $0x38;
	[tilespmem:$0x16400] =	vst v63  }
0xf1: {  	_ =	swait.ge [sflag:s11], $0x2000  }
0xf2: {  	[sflag:s11] =	ssyncset.done $0x0  }
0xf3: {  	s29 =	sadd.s32 $0x800, s26;
	s28 =	rddreg [dreg:$0x6];
	[sflag:s11] =	ssyncadd.s32 $0xFFFFE000  }
0xf4: {  	[hbm4b:s29+s2] =	stream.linear.scatter [tilespmem:s28], [sflag:$0xB], $0x2000, $0x38;
	[tilespmem:$0x16400] =	vst v63  }
0xf5: {  	_ =	swait.ge [sflag:s12], $0x2000  }
0xf6: {  	[sflag:s12] =	ssyncset.done $0x0  }
0xf7: {  	s31 =	sadd.s32 $0xC00, s26;
	s30 =	rddreg [dreg:$0x7];
	[sflag:s12] =	ssyncadd.s32 $0xFFFFE000  }
0xf8: {  	[hbm4b:s31+s2] =	stream.linear.scatter [tilespmem:s30], [sflag:$0xC], $0x2000, $0x38;
	[tilespmem:$0x16400] =	vst v63  }
0xf9: {  	_ =	swait.ge [sflag:s13], $0x2000  }
0xfa: {  	[sflag:s13] =	ssyncset.done $0x0  }
0xfb: {  	s4 =	sadd.s32 $0x1000, s26;
	s1 =	rddreg [dreg:$0x8];
	[sflag:s13] =	ssyncadd.s32 $0xFFFFE000  }
0xfc: {  	[hbm4b:s4+s2] =	stream.linear.scatter [tilespmem:s1], [sflag:$0xD], $0x2000, $0x38;
	[tilespmem:$0x16400] =	vst v63  }
0xfd: {  	_ =	swait.ge [sflag:s14], $0x2000  }
0xfe: {  	[sflag:s14] =	ssyncset.done $0x0  }
0xff: {  	s7 =	sadd.s32 $0x1400, s26;
	s5 =	rddreg [dreg:$0x9];
	[sflag:s14] =	ssyncadd.s32 $0xFFFFE000  }
0x100: {  	[hbm4b:s7+s2] =	stream.linear.scatter [tilespmem:s5], [sflag:$0xE], $0x2000, $0x38;
	[tilespmem:$0x16400] =	vst v63  }
0x101: {  	_ =	swait.ge [sflag:s15], $0x2000  }
0x102: {  	[sflag:s15] =	ssyncset.done $0x0  }
0x103: {  	s18 =	sadd.s32 $0x1800, s26;
	s17 =	rddreg [dreg:$0xa];
	[sflag:s15] =	ssyncadd.s32 $0xFFFFE000  }
0x104: {  	[hbm4b:s18+s2] =	stream.linear.scatter [tilespmem:s17], [sflag:$0xF], $0x2000, $0x38;
	[tilespmem:$0x16400] =	vst v63  }
0x105: {  	_ =	swait.ge [sflag:s16], $0x2000  }
0x106: {  	[sflag:s16] =	ssyncset.done $0x0  }
0x107: {  	s28 =	sadd.s32 $0x1C00, s26;
	s29 =	simm.s32 $0x9;
	[sflag:s16] =	ssyncadd.s32 $0xFFFFE000  }
0x108: {  	[hbm4b:s28+s2] =	stream.linear.scatter [tilespmem:s8], [sflag:$0x10], $0x2000, $0x38;
	[tilespmem:$0x16400] =	vst v63  }
0x109: {  	_ =	swait.ge [sflag:s29], $0x2000  }
0x10a: {  	[sflag:s29] =	ssyncset.done $0x0  }
0x10b: {  	s30 =	simm.s32 $0xA;
	[sflag:s29] =	ssyncadd.s32 $0xFFFFE000  }
0x10c: {  	_ =	swait.ge [sflag:s30], $0x2000  }
0x10d: {  	[sflag:s30] =	ssyncset.done $0x0  }
0x10e: {  	[sflag:s30] =	ssyncadd.s32 $0xFFFFE000  }
0x10f: {  	_ =	swait.ge [sflag:s19], $0x2000  }
0x110: {  	[sflag:s19] =	ssyncset.done $0x0  }
0x111: {  	[sflag:s19] =	ssyncadd.s32 $0xFFFFE000  }
0x112: {  	_ =	swait.ge [sflag:s20], $0x2000  }
0x113: {  	[sflag:s20] =	ssyncset.done $0x0  }
0x114: {  	[sflag:s20] =	ssyncadd.s32 $0xFFFFE000  }
0x115: {  	_ =	swait.ge [sflag:s21], $0x2000  }
0x116: {  	[sflag:s21] =	ssyncset.done $0x0  }
0x117: {  	[sflag:s21] =	ssyncadd.s32 $0xFFFFE000  }
0x118: {  	_ =	swait.ge [sflag:s22], $0x2000  }
0x119: {  	[sflag:s22] =	ssyncset.done $0x0  }
0x11a: {  	[sflag:s22] =	ssyncadd.s32 $0xFFFFE000  }
0x11b: {  	_ =	swait.ge [sflag:s23], $0x2000  }
0x11c: {  	[sflag:s23] =	ssyncset.done $0x0  }
0x11d: {  	[sflag:s23] =	ssyncadd.s32 $0xFFFFE000  }
0x11e: {  	_ =	swait.ge [sflag:s24], $0x2000  }
0x11f: {  	s25 =	sadd.s32 $0x1, s25;
	s31 =	rddreg [dreg:$0xc]  }
0x120: {  	p0 =	sne.s32 s25, s31  }
.Ltmp1:
0x121: {  	_ = 	snop;
	(pc) =	sbr.rel @p0 .LBB2_1-.Ltmp1, $3  }
0x122: {  	_ =	sdelay $0x1  }
0x123: {  	[sflag:s24] =	ssyncset.done $0x0  }
0x124: {  	[sflag:s24] =	ssyncadd.s32 $0xFFFFE000  }
0x125: {  	_ =	sfence.sel $0x180000  }
0x126: {  	[bflag:$0x0] =	sbarrier.arrive $0xFFFF  }
0x127: {  	_ =	strace $0x90000047  }
0x128: {  	s0 =	stileid.u32;
	[bflag:$0x2] =	sbarrier.arrive $0xFFFF  }
0x129: {  	p0 =	sne.s32 s0, $0x0;
	s0 =	rddreg [dreg:$0x2]  }
0x12a: {  	s0 =	sadd.s32 @!p0 $0x100000, s0  }
0x12b: {  	[sflag:s0] =	ssyncadd.tile.s32 @!p0 $0x1;
	_ =	shalt  }
.Lfunc_end2:
_tile_overlayer_lowered:
.L_overlay_start_2:
0x12c: {  	(tag) =	ssettag $0x2  }
0x12d: {  	s0 =	rddreg [dreg:$0x0];
	s2 =	stileid.u32  }
0x12e: {  	s1 =	rddreg [dreg:$0x1];
	p0 =	sne.s32 s2, $0x0  }
0x12f: {  	s3 =	rddreg [dreg:$0x2];
	[bflag:$0x3] =	sbarrier.arrive $0xFFFF;
	s2 =	simm.s32 @!p0 $0x1C11  }
0x130: {  	[timem:s3], [sflag:s2] =	dma.local @!p0 [hbm:s0], s1  }
0x131: {  	s0 =	simm.s32 @!p0 $0x11  }
0x132: {  	_ =	swait.ge @!p0 [sflag:s0], s1  }
0x133: {  	s1 =	ssub.s32 @!p0 $0x0, s1;
	[sflag:s0] =	ssyncset.done @!p0 $0x0  }
0x134: {  	[sflag:s0] =	ssyncadd.s32 @!p0 s1  }
0x135: {  	[bflag:$0x3] =	sbarrier.arrive $0xFFFF  }
0x136: {  	_ =	shalt  }

// kernel: sparse-core-data-format-call.cloned.1.call-start
scs
called_computation_lowered:
.L_overlay_start_0:
0x0: {  	s2 =	sld [smem:$0x3FD9]  }
0x1: {  	s3 =	sld [smem:$0x3FFE];
	_ =	sdelay $0x1  }
0x2: {  	s1 =	srdreg.scid  }
0x3: {  	s0 =	sand.u32 $0x1, s1  }
0x4: {  	s18 =	sshll.u32 s0, $0xA;
	s2 =	sadd.s32 s3, s2  }
0x5: {  	s2 =	sadd.s32 s2, s18  }
0x6: {  	[smem:$0x3FC6] =	sst s2  }
0x7: {  	_ = 	snop  }
0x8: {  	s2 =	sld [smem:$0x3FD0];
	(tm) =	ssettm $0x1  }
0x9: {  	s19 =	sld [smem:$0x3FFB];
	_ =	sdelay $0x3  }
0xa: {  	_ =	strace s19  }
0xb: {  	s3 =	sld [smem:$0x3FFC];
	_ =	sdelay $0x3  }
0xc: {  	_ =	strace s3  }
0xd: {  	s3 =	sld [smem:$0x3FFD];
	_ =	sdelay $0x3  }
0xe: {  	_ =	strace s3  }
0xf: {  	_ =	strace $0x8FFFFFFF  }
0x10: {  	s20 =	sld [smem:$0x3FDB];
	_ =	sdelay $0x1  }
0x11: {  	s4 =	simm.s32 $_scs_section_size  }
0x12: {  	s5 =	simm.s32 $_size__tile_overlayer_lowered;
	s6 =	simm.s32 $_tile_overlayer_lowered  }
0x13: {  	s23 =	simm.s32 $0x1BFF;
	s22 =	sshll.u32 s6, $0x1;
	s3 =	sadd.s32 s4, s20  }
0x14: {  	s7 =	simm.s32 $0x0;
	s21 =	sshll.u32 s5, $0x1;
	s5 =	sadd.s32 s22, s3  }
0x15: {  	[timem:s7], [sflag:s23] =	dma.local [hbm:s5], s21  }
0x16: {  	_ =	swait.ge [sflag:s23], s21  }
0x17: {  	s4 =	ssub.s32 $0x0, s21;
	[sflag:s23] =	ssyncset.done $0x0  }
0x18: {  	[sflag:s23] =	ssyncadd.s32 s4;
	_ =	sdelay $0x1  }
0x19: {  	s24 =	simm.s32 $0x1B8B  }
0x1a: {  	_ =	swait.ge [sflag:s24], $0x1  }
0x1b: {  	[sflag:s24] =	ssyncset.done $0x0  }
0x1c: {  	s26 =	simm.s32 $0x1B8E;
	s25 =	sld [smem:$0x3FFE];
	[sflag:s24] =	ssyncadd.s32 $0xFFFFFFFF  }
0x1d: {  	s27 =	simm.s32 $execute0_lowered;
	[smem:$0x3FD2] =	sst s26  }
0x1e: {  	s5 =	sshll.u32 s27, $0x1;
	_ =	strace $0x80000049;
	[dreg:$0x1] =	wrdreg $0xFFFFFFFF  }
0x1f: {  	s28 =	simm.s32 $_size_execute0_lowered;
	s3 =	sadd.s32 s3, s5;
	[dreg:$0x0] =	wrdreg $0x0  }
0x20: {  	s5 =	sshll.u32 s28, $0x1;
	[dreg:$0x2] =	wrdreg s3  }
0x21: {  	[dreg:$0x3] =	wrdreg s5  }
0x22: {  	[dreg:$0x4] =	wrdreg $0xC0  }
0x23: {  	_ =	task [dreg:s7], $0x5FFFF  }
0x24: {  	[dreg:$0x1] =	wrdreg $0xFFFFFFFF  }
0x25: {  	[dreg:$0x0] =	wrdreg $0x60  }
0x26: {  	[dreg:$0x2] =	wrdreg s25  }
0x27: {  	[dreg:$0x3] =	wrdreg s2  }
0x28: {  	[dreg:$0x4] =	wrdreg $0x9  }
0x29: {  	_ =	task.clear_ibuf [dreg:s7], $0x5FFFF;
	_ =	strace $0x90000049  }
0x2a: {  	s29 =	simm.s32 $0x9;
	_ =	strace $0x8000004B  }
0x2b: {  	_ =	swait.ge [sflag:s29], $0x1  }
0x2c: {  	[sflag:s29] =	ssyncadd.s32 $0xFFFFFFFF  }
0x2d: {  	_ =	strace $0x9000004B  }
0x2e: {  	_ =	sfence  }
0x2f: {  	s30 =	sld [smem:$0x0];
	_ =	sdelay $0x2  }
0x30: {  	s31 =	sshll.u32 s1, $0xD;
	s1 =	sshrl.u32 s1, $0x2  }
0x31: {  	s3 =	sand.u32 $0x4000, s31;
	s1 =	sadd.s32 s1, s30  }
0x32: {  	s0 =	sor.u32 s3, s0;
	s1 =	sshll.u32 s1, $0x11  }
0x33: {  	s0 =	sor.u32 s1, s0  }
0x34: {  	s0 =	sadd.s32 $0x8F2B, s0  }
0x35: {  	[sflag:s0] =	ssyncadd.remote.s32 $0x1  }
0x36: {  	_ =	sfence.sel $0xFFFF  }
0x37: {  	[dreg:$0x0] =	wrdreg $0xFFFFFFFF;
	(pc) =	sbr.abs _section_cstart, $3  }
0x38: {  	[dreg:$0x1] =	wrdreg $0xFFFFFFFF  }
0x39: {  	_ =	task.clear_ibuf [dreg:s7], $0x2FFFF;
	_ =	strace $0x9FFFFFFF  }
0x3a: {  	(tm) =	ssettm $0x7FFFFFFF  }
0x3b: {  	_ =	shalt  }
tec
execute0_lowered:
.L_overlay_start_1:
0x0: {  	(tag) =	ssettag $0x1  }
0x1: {  	s0 =	srdreg.scid  }
0x2: {  	s1 =	sshll.u32 s0, $0x4  }
0x3: {  	s0 =	stileid.u32;
	s1 =	sand.u32 $0x10, s1  }
0x4: {  	s1 =	sor.u32 s0, s1  }
0x5: {  	s6 =	rddreg [dreg:$0x0];
	s4 =	simm.s32 $0x1;
	s2 =	sshll.u32 s1, $0x7  }
0x6: {  	s7 =	simm.s32 $0x2;
	s12 =	simm.s32 $0x0;
	s1 =	ssub.s32 $0x4000, s2  }
0x7: {  	s8 =	simm.s32 $0x20000;
	s13 =	simm.s32 $0x0;
	s3 =	sand.u32 $0xF80, s1  }
0x8: {  	s9 =	simm.s32 $0x0;
	s5 =	sshrl.u32 s1, $0xC;
	p0 =	sne.s32 s3, $0x0  }
.Ltmp0:
0x9: {  	s1 =	rddreg [dreg:$0x2];
	s4 =	simm.s32 @!p0 $0x0;
	(pc) =	sbr.rel .LBB1_1-.Ltmp0, $4  }
0xa: {  	s11 =	simm.s32 $0x0;
	s3 =	rddreg [dreg:$0x1];
	s5 =	sadd.s32 s4, s5  }
0xb: {  	_ =	strace $0x8000004A;
	s4 =	simm.s32 $0x1;
	s5 =	smul.u32 $0x32, s5  }
0xc: {  	s6 =	sadd.s32 $0xA00, s6;
	s10 =	smov.u32 s2;
	[sflag:s4] =	ssyncpa.u1 $0x0  }
0xd: {  	p0 =	por $0x0, $0x0;
	[sflag:s7] =	ssyncpa.u1 $0x0;
	s7 =	sor.u32 $0x1, s5  }
.LBB1_4:
0xe: {  	s16 =	sshll.u32 s13, $0x3;
	s17 =	sand.u32 $0x78, s13  }
0xf: {  	s30 =	sand.u32 $0x1F800, s13;
	s12 =	sshll.u32 s12, $0x11;
	s16 =	sand.u32 $0x3C00, s16  }
0x10: {  	[tilespmem:s15+$0x810 ss:$0x81] =	vst.msk $0xffff, v2;
	s31 =	sand.u32 $0x7, s13;
	s16 =	sor.u32 s17, s16;
	s17 =	sadd.s32 s3, s30  }
0x11: {  	[tilespmem:s15+$0x1020 ss:$0x81] =	vst.msk $0xffff, v0;
	s13 =	sshll.u32 s31, $0x12;
	s12 =	sadd.s32 s12, s17;
	s16 =	sshrl.u32 s16, $0x3  }
0x12: {  	[tilespmem:s15+$0x0 ss:$0x81] =	vst.msk $0xffff, v1;
	s13 =	sor.u32 $0x400, s13;
	s12 =	sadd.s32 s16, s12  }
0x13: {  	[hbm4b:s12+s13] =	stream.strided.scatter [tilespmem:s14], [sflag:$0x2], $0x2000, s8, s13, $0x20;
	[tilespmem:$0x8080] =	vst v63  }
.LBB1_5:
0x14: {  	s14 =	sadd.s32 $0x1, s9  }
0x15: {  	s12 =	sadd.s32 $0x1000, s10;
	s16 =	smov.u32 s10;
	p2 =	sgt.s32 s14, $0x31  }
0x16: {  	s16 =	smov.u32 @p2 s12  }
0x17: {  	s14 =	simm.s32 @p2 $0x0;
	p2 =	sgt.s32 s16, $0x3FFF  }
0x18: {  	s16 =	smov.u32 @p2 s2;
	p2 =	sne.s32 s11, s7  }
.Ltmp1:
0x19: {  	p1 =	slt.u32 s11, $0x2;
	(pc) =	sbr.rel @!p2 .LBB1_6-.Ltmp1, $4  }
0x1a: {  	s15 =	simm.s32 @!p1 $0x2  }
0x1b: {  	s13 =	smov.u32 s10;
	p0 =	por !p0, !p0;
	_ =	swait.ge @!p1 [sflag:s15], $0x2000  }
0x1c: {  	s12 =	smov.u32 s9;
	[sflag:s15] =	ssyncset.done @!p1 $0x0;
	s9 =	smov.u32 s14  }
0x1d: {  	s11 =	sadd.s32 $0x1, s11;
	[sflag:s15] =	ssyncadd.s32 @!p1 $0xFFFFE000;
	s10 =	smov.u32 s16  }
.LBB1_1:
0x1e: {  	p1 =	sge.u32 s11, s5  }
0x1f: {  	s14 =	sand.u32 @!p1 $0x1FFFFFF, s9  }
0x20: {  	s15 =	smulhi.u32 @!p1 $0x4924925, s14;
	_ =	sdelay $0x1  }
0x21: {  	s15 =	smul.u32 @!p1 $0x38, s15  }
0x22: {  	s16 =	sxor.u32 @!p1 $0xFFFFFFFF, s11;
	s17 =	smul.u32 @!p1 $0x380, s10  }
0x23: {  	s31 =	sadd.s32 $0xFFFFFFFF, s11;
	s16 =	sshll.u32 @!p1 s16, $0xD;
	s14 =	ssub.s32 @!p1 s14, s15  }
0x24: {  	s15 =	sand.u32 @!p1 $0x2000, s16;
	s16 =	sadd.s32 @!p1 s6, s17;
	s14 =	sshll.u32 @!p1 s14, $0x4  }
0x25: {  	s17 =	simm.s32 @!p1 $0x1C00;
	s14 =	sadd.s32 @!p1 s14, s16;
	s16 =	simm.s32 @!p1 $0x40  }
0x26: {  	[tilespmem:s15], [sflag:$0x1] =	stream.strided.gather @!p1 [hbm4b:s14+s16], $0x2000, s17, s16, $0x38;
	[tilespmem:$0x8080] =	vst v63  }
0x27: {  	p1 =	sge.u32 s31, s5  }
.Ltmp2:
0x28: {  	_ = 	snop;
	(pc) =	sbr.rel @p1 .LBB1_5-.Ltmp2, $1  }
0x29: {  	_ =	sdelay $0x3  }
0x2a: {  	s14 =	simm.s32 $0x1  }
0x2b: {  	_ =	swait.ge [sflag:s4], $0x2000;
	s14 =	simm.s32 @!p0 $0x0  }
0x2c: {  	[sflag:s4] =	ssyncset.done $0x0;
	s15 =	sshll.u32 s14, $0xD  }
0x2d: {  	[sflag:s4] =	ssyncadd.s32 $0xFFFFE000;
	s18 =	sor.u32 $0x20, s15  }
0x2e: {  	s14 =	smul.u32 $0x8100, s14;
	v3 =	vld [tilespmem:s18+$0x10]  }
0x2f: {  	s30 =	sand.u32 $0x1, s11;
	v2 =	vld [tilespmem:s18+$0xFFFFFFF0]  }
0x30: {  	s15 =	smul.u32 $0x8100, s30;
	s14 =	sshrl.u32 s14, $0x2;
	v0 =	vld [tilespmem:s18+$0x0]  }
0x31: {  	v1 =	vld [tilespmem:s18+$0xFFFFFFE0];
	s16 =	sor.u32 $0x4000, s14  }
0x32: {  	s31 =	sshrl.u32 s15, $0x2;
	s15 =	sadd.s32 $0x0, s16  }
0x33: {  	s17 =	simm.s32 $0x4;
	s18 =	sadd.s32 $0x40, s18;
	s14 =	sor.u32 $0x4000, s31;
	[tilespmem:s15+$0x1830 ss:$0x81] =	vst.msk $0xffff, v3  }
.LBB1_3:
0x34: {  	v3 =	vld [tilespmem:s18+$0x10];
	p1 =	sne.s32 s17, $0x1FC;
	[tilespmem:s15+$0x810 ss:$0x81] =	vst.msk $0xffff, v2;
	s19 =	smov.u32 s17;
	s17 =	sadd.s32 $0x4, s17  }
.Ltmp3:
0x35: {  	v2 =	vld [tilespmem:s18+$0xFFFFFFF0];
	[tilespmem:s15+$0x1020 ss:$0x81] =	vst.msk $0xffff, v0;
	(pc) =	sbr.rel @p1 .LBB1_3-.Ltmp3, $4  }
0x36: {  	v0 =	vld [tilespmem:s18+$0x0];
	[tilespmem:s15+$0x0 ss:$0x81] =	vst.msk $0xffff, v1  }
0x37: {  	s15 =	sshra.s32 s19, $0x2;
	v1 =	vld [tilespmem:s18+$0xFFFFFFE0]  }
0x38: {  	s15 =	sadd.s32 s15, s16  }
0x39: {  	s18 =	sadd.s32 $0x40, s18;
	[tilespmem:s15+$0x1830 ss:$0x81] =	vst.msk $0xffff, v3  }
.Ltmp4:
0x3a: {  	_ = 	snop;
	(pc) =	sbr.rel .LBB1_4-.Ltmp4, $1  }
0x3b: {  	_ =	sdelay $0x3  }
.LBB1_6:
0x3c: {  	_ =	sfence.sel $0x180000  }
0x3d: {  	s2 =	simm.s32 $0x1;
	[bflag:$0x0] =	sbarrier.arrive $0xFFFF  }
0x3e: {  	s31 =	simm.s32 $0x2;
	[sflag:s2] =	ssyncpa.u1 $0x1  }
0x3f: {  	[sflag:s31] =	ssyncpa.u1 $0x1  }
0x40: {  	p0 =	sne.s32 s0, $0x0;
	_ =	strace $0x9000004A  }
0x41: {  	s0 =	sadd.s32 @!p0 $0x100000, s1;
	[bflag:$0x2] =	sbarrier.arrive $0xFFFF  }
0x42: {  	[sflag:s0] =	ssyncadd.tile.s32 @!p0 $0x1;
	_ =	shalt  }
.Lfunc_end1:
_tile_overlayer_lowered:
.L_overlay_start_2:
0x43: {  	(tag) =	ssettag $0x2  }
0x44: {  	s0 =	rddreg [dreg:$0x0];
	s2 =	stileid.u32  }
0x45: {  	s1 =	rddreg [dreg:$0x1];
	p0 =	sne.s32 s2, $0x0  }
0x46: {  	s3 =	rddreg [dreg:$0x2];
	[bflag:$0x3] =	sbarrier.arrive $0xFFFF;
	s2 =	simm.s32 @!p0 $0x1C01  }
0x47: {  	[timem:s3], [sflag:s2] =	dma.local @!p0 [hbm:s0], s1  }
0x48: {  	s0 =	simm.s32 @!p0 $0x1  }
0x49: {  	_ =	swait.ge @!p0 [sflag:s0], s1  }
0x4a: {  	s1 =	ssub.s32 @!p0 $0x0, s1;
	[sflag:s0] =	ssyncset.done @!p0 $0x0  }
0x4b: {  	[sflag:s0] =	ssyncadd.s32 @!p0 s1  }
0x4c: {  	[bflag:$0x3] =	sbarrier.arrive $0xFFFF  }
0x4d: {  	_ =	shalt  }

</sc_bundles>
